<compile_context>
chip_gen: v7x
topology: tpu7x:2x2x1
jax: 0.10.2.dev20260603
libtpu: 0.0.44.dev20260713+nightly
codegen_flags: <defaults>
</compile_context>

<pallas_src>
import jax
import jax.numpy as jnp
from jax import lax
from jax.experimental import pallas as pl
from jax.experimental.pallas import tpu as pltpu
from jax.experimental.pallas import tpu_sc as plsc

NC, NS = 2, 16
NW = NC * NS
ROWS = 16384
D = 1024
RPW = ROWS // NW
CHUNK = 32
NCHUNK = RPW // CHUNK
NBUF = 3
LEAD = NBUF - 2


def _sc_body(x2_hbm, out_hbm, sbuf, *sems):
    sid = lax.axis_index("s")
    wid = sid * NC + lax.axis_index("c")
    buf = sbuf.at[sid]
    b = wid // 8
    h = (wid % 8) // 4
    p = wid % 4
    src_row0 = b * 2048 + p * RPW
    src_col0 = h * D
    dst_row0 = wid * RPW

    gsems, psems = sems[:NBUF], sems[NBUF:]

    def gather(k):
        s = k % NBUF
        return pltpu.async_copy(
            x2_hbm.at[pl.ds(src_row0 + k * CHUNK, CHUNK), pl.ds(src_col0, D)],
            buf.at[s], gsems[s])

    def put(k):
        s = k % NBUF
        return pltpu.async_copy(
            buf.at[s], out_hbm.at[pl.ds(dst_row0 + k * CHUNK, CHUNK)],
            psems[s])

    gd = [None] * NCHUNK
    pd = [None] * NCHUNK
    for k in range(min(LEAD, NCHUNK)):
        gd[k] = gather(k)
    for k in range(NCHUNK):
        j = k + LEAD
        if j < NCHUNK:
            if j >= NBUF:
                pd[j - NBUF].wait()
            gd[j] = gather(j)
        gd[k].wait()
        pd[k] = put(k)
    for k in range(max(0, NCHUNK - NBUF), NCHUNK):
        pd[k].wait()


def _shuffle_sc(x2):
    mesh = plsc.VectorSubcoreMesh(core_axis_name="c", subcore_axis_name="s")
    return pl.kernel(
        _sc_body,
        out_type=jax.ShapeDtypeStruct((ROWS, D), jnp.float32),
        mesh=mesh,
        scratch_types=[pltpu.VMEM_SHARED((NS, NBUF, CHUNK, D), jnp.float32)]
        + [pltpu.SemaphoreType.DMA] * (2 * NBUF),
    )(x2)


def kernel(x):
    B, L, F = x.shape
    x2 = x.reshape(B * L // 2, 2 * F)
    out = _shuffle_sc(x2)
    return out.reshape(B, L, F)

# --- scband reference (transcript-rebuilt; emitter-appended) ---
"""Pipeline reference for scband-shuffle-layer-50723563766176 (READ-ONLY COPY).

The authoritative reference and input builder live on the scoring server;
editing this copy changes nothing except your own understanding.
"""

import jax, jax.numpy as jnp
import numpy as np


def _rol(x, n, p=1):
    """Bitwise rotation left p positions; n is the bit length of the number."""
    return x << p & (1 << n) - 1 | x >> n - p


def _ror(x, n, p=1):
    """Bitwise rotation right p positions; n is the bit length of the number."""
    return (x >> p) + ((x & (1 << p) - 1) << n - p)


REVERSE = False


def setup_inputs(seed: int = 0) -> dict:
    key = jax.random.key(seed)
    x = jax.random.normal(key, (4, 4096, 1024), dtype=jnp.float32)
    return {"x": x}


def reference(x):
    length = x.shape[1]
    n_bits = (length - 1).bit_length()
    if REVERSE:
        rev_indices = np.array([_ror(i, n_bits) for i in range(length)], dtype=np.int32)
    else:
        rev_indices = np.array([_rol(i, n_bits) for i in range(length)], dtype=np.int32)
    idx = jnp.asarray(rev_indices)
    # x[..., rev_indices, :] -> gather along axis 1 (second-to-last here)
    return jnp.take(x, idx, axis=1)

if __name__ == "__main__":
    import jax
    _d = setup_inputs()
    print(jax.jit(kernel)(*tuple(_d.values())))

</pallas_src>

<mosaic_0001>
#map = affine_map<(d0, d1) -> (0, 0)>
module attributes {stable_mosaic.version = 14 : i64} {
  func.func @_sc_body(%arg0: i32, %arg1: i32, %arg2: memref<8192x2048xf32, #tpu.memory_space<hbm>>, %arg3: memref<16384x1024xf32, #tpu.memory_space<hbm>>, %arg4: memref<16x3x32x1024xf32, #tpu.memory_space<vmem_shared>>, %arg5: memref<!tpu.dma_semaphore, #tpu.memory_space<semaphore_mem>>, %arg6: memref<!tpu.dma_semaphore, #tpu.memory_space<semaphore_mem>>, %arg7: memref<!tpu.dma_semaphore, #tpu.memory_space<semaphore_mem>>, %arg8: memref<!tpu.dma_semaphore, #tpu.memory_space<semaphore_mem>>, %arg9: memref<!tpu.dma_semaphore, #tpu.memory_space<semaphore_mem>>, %arg10: memref<!tpu.dma_semaphore, #tpu.memory_space<semaphore_mem>>) attributes {dimension_semantics = [#tpu.dimension_semantics<core_parallel>, #tpu.dimension_semantics<subcore_parallel>], iteration_bounds = array<i64: 2, 16>, scalar_prefetch = 0 : i64, scratch_operands = 7 : i64, tpu.core_type = #tpu.core_type<sc_vector_subcore>, window_params = [{transform_indices = #map}, {transform_indices = #map}]} {
    %mul3A = arith.constant 2 : i32
    %mul3A_0 = arith.muli %arg1, %mul3A : i32
    %add3A = arith.addi %mul3A_0, %arg0 : i32
    %jit3A = arith.constant 8 : i32
    %div3A = arith.divsi %add3A, %jit3A : i32
    %sign3A = arith.constant 0 : i32
    %sign3A_1 = arith.cmpi sgt, %add3A, %sign3A : i32
    %sign3A_2 = arith.extui %sign3A_1 : i1 to i32
    %sign3A_3 = arith.constant 0 : i32
    %sign3A_4 = arith.cmpi slt, %add3A, %sign3A_3 : i32
    %sign3A_5 = arith.extui %sign3A_4 : i1 to i32
    %sign3A_6 = arith.subi %sign3A_2, %sign3A_5 : i32
    %sign3A_7 = arith.constant 0 : i32
    %sign3A_8 = arith.cmpi sgt, %jit3A, %sign3A_7 : i32
    %sign3A_9 = arith.extui %sign3A_8 : i1 to i32
    %sign3A_10 = arith.constant 0 : i32
    %sign3A_11 = arith.cmpi slt, %jit3A, %sign3A_10 : i32
    %sign3A_12 = arith.extui %sign3A_11 : i1 to i32
    %sign3A_13 = arith.subi %sign3A_9, %sign3A_12 : i32
    %ne3A = arith.cmpi ne, %sign3A_6, %sign3A_13 : i32
    %rem3A = arith.remsi %add3A, %jit3A : i32
    %ne3A_14 = arith.constant 0 : i32
    %ne3A_15 = arith.cmpi ne, %rem3A, %ne3A_14 : i32
    %and3A = arith.andi %ne3A, %ne3A_15 : i1
    %sub3A = arith.constant 1 : i32
    %sub3A_16 = arith.subi %div3A, %sub3A : i32
    %select_n3A = arith.select %and3A, %sub3A_16, %div3A : i32
    %jit3A_17 = arith.constant 8 : i32
    %eq3A = arith.constant 0 : i32
    %eq3A_18 = arith.cmpi eq, %jit3A_17, %eq3A : i32
    %jit3A_19 = arith.constant 1 : i32
    %select_n3A_20 = arith.select %eq3A_18, %jit3A_19, %jit3A_17 : i32
    %rem3A_21 = arith.remsi %add3A, %select_n3A_20 : i32
    %ne3A_22 = arith.constant 0 : i32
    %ne3A_23 = arith.cmpi ne, %rem3A_21, %ne3A_22 : i32
    %lt3A = arith.constant 0 : i32
    %lt3A_24 = arith.cmpi slt, %rem3A_21, %lt3A : i32
    %lt3A_25 = arith.constant 0 : i32
    %lt3A_26 = arith.cmpi slt, %select_n3A_20, %lt3A_25 : i32
    %ne3A_27 = arith.xori %lt3A_24, %lt3A_26 : i1
    %and3A_28 = arith.andi %ne3A_27, %ne3A_23 : i1
    %add3A_29 = arith.addi %rem3A_21, %select_n3A_20 : i32
    %select_n3A_30 = arith.select %and3A_28, %add3A_29, %rem3A_21 : i32
    %jit3A_31 = arith.constant 4 : i32
    %div3A_32 = arith.divsi %select_n3A_30, %jit3A_31 : i32
    %sign3A_33 = arith.constant 0 : i32
    %sign3A_34 = arith.cmpi sgt, %select_n3A_30, %sign3A_33 : i32
    %sign3A_35 = arith.extui %sign3A_34 : i1 to i32
    %sign3A_36 = arith.constant 0 : i32
    %sign3A_37 = arith.cmpi slt, %select_n3A_30, %sign3A_36 : i32
    %sign3A_38 = arith.extui %sign3A_37 : i1 to i32
    %sign3A_39 = arith.subi %sign3A_35, %sign3A_38 : i32
    %sign3A_40 = arith.constant 0 : i32
    %sign3A_41 = arith.cmpi sgt, %jit3A_31, %sign3A_40 : i32
    %sign3A_42 = arith.extui %sign3A_41 : i1 to i32
    %sign3A_43 = arith.constant 0 : i32
    %sign3A_44 = arith.cmpi slt, %jit3A_31, %sign3A_43 : i32
    %sign3A_45 = arith.extui %sign3A_44 : i1 to i32
    %sign3A_46 = arith.subi %sign3A_42, %sign3A_45 : i32
    %ne3A_47 = arith.cmpi ne, %sign3A_39, %sign3A_46 : i32
    %rem3A_48 = arith.remsi %select_n3A_30, %jit3A_31 : i32
    %ne3A_49 = arith.constant 0 : i32
    %ne3A_50 = arith.cmpi ne, %rem3A_48, %ne3A_49 : i32
    %and3A_51 = arith.andi %ne3A_47, %ne3A_50 : i1
    %sub3A_52 = arith.constant 1 : i32
    %sub3A_53 = arith.subi %div3A_32, %sub3A_52 : i32
    %select_n3A_54 = arith.select %and3A_51, %sub3A_53, %div3A_32 : i32
    %jit3A_55 = arith.constant 4 : i32
    %eq3A_56 = arith.constant 0 : i32
    %eq3A_57 = arith.cmpi eq, %jit3A_55, %eq3A_56 : i32
    %jit3A_58 = arith.constant 1 : i32
    %select_n3A_59 = arith.select %eq3A_57, %jit3A_58, %jit3A_55 : i32
    %rem3A_60 = arith.remsi %add3A, %select_n3A_59 : i32
    %ne3A_61 = arith.constant 0 : i32
    %ne3A_62 = arith.cmpi ne, %rem3A_60, %ne3A_61 : i32
    %lt3A_63 = arith.constant 0 : i32
    %lt3A_64 = arith.cmpi slt, %rem3A_60, %lt3A_63 : i32
    %lt3A_65 = arith.constant 0 : i32
    %lt3A_66 = arith.cmpi slt, %select_n3A_59, %lt3A_65 : i32
    %ne3A_67 = arith.xori %lt3A_64, %lt3A_66 : i1
    %and3A_68 = arith.andi %ne3A_67, %ne3A_62 : i1
    %add3A_69 = arith.addi %rem3A_60, %select_n3A_59 : i32
    %select_n3A_70 = arith.select %and3A_68, %add3A_69, %rem3A_60 : i32
    %mul3A_71 = arith.constant 2048 : i32
    %mul3A_72 = arith.muli %select_n3A, %mul3A_71 : i32
    %mul3A_73 = arith.constant 512 : i32
    %mul3A_74 = arith.muli %select_n3A_70, %mul3A_73 : i32
    %add3A_75 = arith.addi %mul3A_72, %mul3A_74 : i32
    %mul3A_76 = arith.constant 1024 : i32
    %mul3A_77 = arith.muli %select_n3A_54, %mul3A_76 : i32
    %mul3A_78 = arith.constant 512 : i32
    %mul3A_79 = arith.muli %add3A, %mul3A_78 : i32
    %add3A_80 = arith.constant 0 : i32
    %add3A_81 = arith.addi %add3A_75, %add3A_80 : i32
    %dma_start3A = arith.constant 0 : i32
    %dma_start3A_82 = arith.constant 0 : i32
    %dma_start3A_83 = arith.constant 0 : i32
    %dma_start3A_84 = arith.constant 0 : i32
    %dma_start3A_85 = tpu.memref_slice %arg4[%arg1, %dma_start3A_82, %dma_start3A_83, %dma_start3A_84] : memref<16x3x32x1024xf32, #tpu.memory_space<vmem_shared>> -> memref<1x3x32x1024xf32, #tpu.memory_space<vmem_shared>>
    %dma_start3A_86 = tpu.memref_squeeze %dma_start3A_85 : memref<1x3x32x1024xf32, #tpu.memory_space<vmem_shared>> -> memref<3x32x1024xf32, #tpu.memory_space<vmem_shared>>
    %dma_start3A_87 = arith.constant 0 : i32
    %dma_start3A_88 = arith.constant 0 : i32
    %dma_start3A_89 = tpu.memref_slice %dma_start3A_86[%dma_start3A, %dma_start3A_87, %dma_start3A_88] : memref<3x32x1024xf32, #tpu.memory_space<vmem_shared>> -> memref<1x32x1024xf32, #tpu.memory_space<vmem_shared>>
    %dma_start3A_90 = tpu.memref_squeeze %dma_start3A_89 : memref<1x32x1024xf32, #tpu.memory_space<vmem_shared>> -> memref<32x1024xf32, #tpu.memory_space<vmem_shared>>
    %dma_start3A_91 = tpu.memref_slice %arg2[%add3A_81, %mul3A_77] : memref<8192x2048xf32, #tpu.memory_space<hbm>> -> memref<32x1024xf32, #tpu.memory_space<hbm>>
    tpu.enqueue_dma source(%dma_start3A_91 : memref<32x1024xf32, #tpu.memory_space<hbm>>) target(%dma_start3A_90 : memref<32x1024xf32, #tpu.memory_space<vmem_shared>>) target_semaphore(%arg5 : memref<!tpu.dma_semaphore, #tpu.memory_space<semaphore_mem>>)
    %add3A_92 = arith.constant 32 : i32
    %add3A_93 = arith.addi %add3A_75, %add3A_92 : i32
    %dma_start3A_94 = arith.constant 1 : i32
    %dma_start3A_95 = arith.constant 0 : i32
    %dma_start3A_96 = arith.constant 0 : i32
    %dma_start3A_97 = arith.constant 0 : i32
    %dma_start3A_98 = tpu.memref_slice %arg4[%arg1, %dma_start3A_95, %dma_start3A_96, %dma_start3A_97] : memref<16x3x32x1024xf32, #tpu.memory_space<vmem_shared>> -> memref<1x3x32x1024xf32, #tpu.memory_space<vmem_shared>>
    %dma_start3A_99 = tpu.memref_squeeze %dma_start3A_98 : memref<1x3x32x1024xf32, #tpu.memory_space<vmem_shared>> -> memref<3x32x1024xf32, #tpu.memory_space<vmem_shared>>
    %dma_start3A_100 = arith.constant 0 : i32
    %dma_start3A_101 = arith.constant 0 : i32
    %dma_start3A_102 = tpu.memref_slice %dma_start3A_99[%dma_start3A_94, %dma_start3A_100, %dma_start3A_101] : memref<3x32x1024xf32, #tpu.memory_space<vmem_shared>> -> memref<1x32x1024xf32, #tpu.memory_space<vmem_shared>>
    %dma_start3A_103 = tpu.memref_squeeze %dma_start3A_102 : memref<1x32x1024xf32, #tpu.memory_space<vmem_shared>> -> memref<32x1024xf32, #tpu.memory_space<vmem_shared>>
    %dma_start3A_104 = tpu.memref_slice %arg2[%add3A_93, %mul3A_77] : memref<8192x2048xf32, #tpu.memory_space<hbm>> -> memref<32x1024xf32, #tpu.memory_space<hbm>>
    tpu.enqueue_dma source(%dma_start3A_104 : memref<32x1024xf32, #tpu.memory_space<hbm>>) target(%dma_start3A_103 : memref<32x1024xf32, #tpu.memory_space<vmem_shared>>) target_semaphore(%arg6 : memref<!tpu.dma_semaphore, #tpu.memory_space<semaphore_mem>>)
    %dma_wait3A = arith.constant 0 : i32
    %dma_wait3A_105 = arith.constant 0 : i32
    %dma_wait3A_106 = arith.constant 0 : i32
    %dma_wait3A_107 = arith.constant 0 : i32
    %dma_wait3A_108 = tpu.memref_slice %arg4[%arg1, %dma_wait3A_105, %dma_wait3A_106, %dma_wait3A_107] : memref<16x3x32x1024xf32, #tpu.memory_space<vmem_shared>> -> memref<1x3x32x1024xf32, #tpu.memory_space<vmem_shared>>
    %dma_wait3A_109 = tpu.memref_squeeze %dma_wait3A_108 : memref<1x3x32x1024xf32, #tpu.memory_space<vmem_shared>> -> memref<3x32x1024xf32, #tpu.memory_space<vmem_shared>>
    %dma_wait3A_110 = arith.constant 0 : i32
    %dma_wait3A_111 = arith.constant 0 : i32
    %dma_wait3A_112 = tpu.memref_slice %dma_wait3A_109[%dma_wait3A, %dma_wait3A_110, %dma_wait3A_111] : memref<3x32x1024xf32, #tpu.memory_space<vmem_shared>> -> memref<1x32x1024xf32, #tpu.memory_space<vmem_shared>>
    %dma_wait3A_113 = tpu.memref_squeeze %dma_wait3A_112 : memref<1x32x1024xf32, #tpu.memory_space<vmem_shared>> -> memref<32x1024xf32, #tpu.memory_space<vmem_shared>>
    %dma_wait3A_114 = tpu.memref_slice %arg2[%add3A_81, %mul3A_77] : memref<8192x2048xf32, #tpu.memory_space<hbm>> -> memref<32x1024xf32, #tpu.memory_space<hbm>>
    tpu.wait_dma2 semaphore(%arg5 : memref<!tpu.dma_semaphore, #tpu.memory_space<semaphore_mem>>) src(%dma_wait3A_114 : memref<32x1024xf32, #tpu.memory_space<hbm>>) dst(%dma_wait3A_113 : memref<32x1024xf32, #tpu.memory_space<vmem_shared>>)
    %add3A_115 = arith.constant 0 : i32
    %add3A_116 = arith.addi %mul3A_79, %add3A_115 : i32
    %dma_start3A_117 = arith.constant 0 : i32
    %dma_start3A_118 = arith.constant 0 : i32
    %dma_start3A_119 = tpu.memref_slice %arg3[%add3A_116, %dma_start3A_118] : memref<16384x1024xf32, #tpu.memory_space<hbm>> -> memref<32x1024xf32, #tpu.memory_space<hbm>>
    %dma_start3A_120 = arith.constant 0 : i32
    %dma_start3A_121 = arith.constant 0 : i32
    %dma_start3A_122 = arith.constant 0 : i32
    %dma_start3A_123 = tpu.memref_slice %arg4[%arg1, %dma_start3A_120, %dma_start3A_121, %dma_start3A_122] : memref<16x3x32x1024xf32, #tpu.memory_space<vmem_shared>> -> memref<1x3x32x1024xf32, #tpu.memory_space<vmem_shared>>
    %dma_start3A_124 = tpu.memref_squeeze %dma_start3A_123 : memref<1x3x32x1024xf32, #tpu.memory_space<vmem_shared>> -> memref<3x32x1024xf32, #tpu.memory_space<vmem_shared>>
    %dma_start3A_125 = arith.constant 0 : i32
    %dma_start3A_126 = arith.constant 0 : i32
    %dma_start3A_127 = tpu.memref_slice %dma_start3A_124[%dma_start3A_117, %dma_start3A_125, %dma_start3A_126] : memref<3x32x1024xf32, #tpu.memory_space<vmem_shared>> -> memref<1x32x1024xf32, #tpu.memory_space<vmem_shared>>
    %dma_start3A_128 = tpu.memref_squeeze %dma_start3A_127 : memref<1x32x1024xf32, #tpu.memory_space<vmem_shared>> -> memref<32x1024xf32, #tpu.memory_space<vmem_shared>>
    tpu.enqueue_dma source(%dma_start3A_128 : memref<32x1024xf32, #tpu.memory_space<vmem_shared>>) target(%dma_start3A_119 : memref<32x1024xf32, #tpu.memory_space<hbm>>) target_semaphore(%arg8 : memref<!tpu.dma_semaphore, #tpu.memory_space<semaphore_mem>>)
    %add3A_129 = arith.constant 64 : i32
    %add3A_130 = arith.addi %add3A_75, %add3A_129 : i32
    %dma_start3A_131 = arith.constant 2 : i32
    %dma_start3A_132 = arith.constant 0 : i32
    %dma_start3A_133 = arith.constant 0 : i32
    %dma_start3A_134 = arith.constant 0 : i32
    %dma_start3A_135 = tpu.memref_slice %arg4[%arg1, %dma_start3A_132, %dma_start3A_133, %dma_start3A_134] : memref<16x3x32x1024xf32, #tpu.memory_space<vmem_shared>> -> memref<1x3x32x1024xf32, #tpu.memory_space<vmem_shared>>
    %dma_start3A_136 = tpu.memref_squeeze %dma_start3A_135 : memref<1x3x32x1024xf32, #tpu.memory_space<vmem_shared>> -> memref<3x32x1024xf32, #tpu.memory_space<vmem_shared>>
    %dma_start3A_137 = arith.constant 0 : i32
    %dma_start3A_138 = arith.constant 0 : i32
    %dma_start3A_139 = tpu.memref_slice %dma_start3A_136[%dma_start3A_131, %dma_start3A_137, %dma_start3A_138] : memref<3x32x1024xf32, #tpu.memory_space<vmem_shared>> -> memref<1x32x1024xf32, #tpu.memory_space<vmem_shared>>
    %dma_start3A_140 = tpu.memref_squeeze %dma_start3A_139 : memref<1x32x1024xf32, #tpu.memory_space<vmem_shared>> -> memref<32x1024xf32, #tpu.memory_space<vmem_shared>>
    %dma_start3A_141 = tpu.memref_slice %arg2[%add3A_130, %mul3A_77] : memref<8192x2048xf32, #tpu.memory_space<hbm>> -> memref<32x1024xf32, #tpu.memory_space<hbm>>
    tpu.enqueue_dma source(%dma_start3A_141 : memref<32x1024xf32, #tpu.memory_space<hbm>>) target(%dma_start3A_140 : memref<32x1024xf32, #tpu.memory_space<vmem_shared>>) target_semaphore(%arg7 : memref<!tpu.dma_semaphore, #tpu.memory_space<semaphore_mem>>)
    %dma_wait3A_142 = arith.constant 1 : i32
    %dma_wait3A_143 = arith.constant 0 : i32
    %dma_wait3A_144 = arith.constant 0 : i32
    %dma_wait3A_145 = arith.constant 0 : i32
    %dma_wait3A_146 = tpu.memref_slice %arg4[%arg1, %dma_wait3A_143, %dma_wait3A_144, %dma_wait3A_145] : memref<16x3x32x1024xf32, #tpu.memory_space<vmem_shared>> -> memref<1x3x32x1024xf32, #tpu.memory_space<vmem_shared>>
    %dma_wait3A_147 = tpu.memref_squeeze %dma_wait3A_146 : memref<1x3x32x1024xf32, #tpu.memory_space<vmem_shared>> -> memref<3x32x1024xf32, #tpu.memory_space<vmem_shared>>
    %dma_wait3A_148 = arith.constant 0 : i32
    %dma_wait3A_149 = arith.constant 0 : i32
    %dma_wait3A_150 = tpu.memref_slice %dma_wait3A_147[%dma_wait3A_142, %dma_wait3A_148, %dma_wait3A_149] : memref<3x32x1024xf32, #tpu.memory_space<vmem_shared>> -> memref<1x32x1024xf32, #tpu.memory_space<vmem_shared>>
    %dma_wait3A_151 = tpu.memref_squeeze %dma_wait3A_150 : memref<1x32x1024xf32, #tpu.memory_space<vmem_shared>> -> memref<32x1024xf32, #tpu.memory_space<vmem_shared>>
    %dma_wait3A_152 = tpu.memref_slice %arg2[%add3A_93, %mul3A_77] : memref<8192x2048xf32, #tpu.memory_space<hbm>> -> memref<32x1024xf32, #tpu.memory_space<hbm>>
    tpu.wait_dma2 semaphore(%arg6 : memref<!tpu.dma_semaphore, #tpu.memory_space<semaphore_mem>>) src(%dma_wait3A_152 : memref<32x1024xf32, #tpu.memory_space<hbm>>) dst(%dma_wait3A_151 : memref<32x1024xf32, #tpu.memory_space<vmem_shared>>)
    %add3A_153 = arith.constant 32 : i32
    %add3A_154 = arith.addi %mul3A_79, %add3A_153 : i32
    %dma_start3A_155 = arith.constant 1 : i32
    %dma_start3A_156 = arith.constant 0 : i32
    %dma_start3A_157 = tpu.memref_slice %arg3[%add3A_154, %dma_start3A_156] : memref<16384x1024xf32, #tpu.memory_space<hbm>> -> memref<32x1024xf32, #tpu.memory_space<hbm>>
    %dma_start3A_158 = arith.constant 0 : i32
    %dma_start3A_159 = arith.constant 0 : i32
    %dma_start3A_160 = arith.constant 0 : i32
    %dma_start3A_161 = tpu.memref_slice %arg4[%arg1, %dma_start3A_158, %dma_start3A_159, %dma_start3A_160] : memref<16x3x32x1024xf32, #tpu.memory_space<vmem_shared>> -> memref<1x3x32x1024xf32, #tpu.memory_space<vmem_shared>>
    %dma_start3A_162 = tpu.memref_squeeze %dma_start3A_161 : memref<1x3x32x1024xf32, #tpu.memory_space<vmem_shared>> -> memref<3x32x1024xf32, #tpu.memory_space<vmem_shared>>
    %dma_start3A_163 = arith.constant 0 : i32
    %dma_start3A_164 = arith.constant 0 : i32
    %dma_start3A_165 = tpu.memref_slice %dma_start3A_162[%dma_start3A_155, %dma_start3A_163, %dma_start3A_164] : memref<3x32x1024xf32, #tpu.memory_space<vmem_shared>> -> memref<1x32x1024xf32, #tpu.memory_space<vmem_shared>>
    %dma_start3A_166 = tpu.memref_squeeze %dma_start3A_165 : memref<1x32x1024xf32, #tpu.memory_space<vmem_shared>> -> memref<32x1024xf32, #tpu.memory_space<vmem_shared>>
    tpu.enqueue_dma source(%dma_start3A_166 : memref<32x1024xf32, #tpu.memory_space<vmem_shared>>) target(%dma_start3A_157 : memref<32x1024xf32, #tpu.memory_space<hbm>>) target_semaphore(%arg9 : memref<!tpu.dma_semaphore, #tpu.memory_space<semaphore_mem>>)
    %dma_wait3A_167 = arith.constant 0 : i32
    %dma_wait3A_168 = arith.constant 0 : i32
    %dma_wait3A_169 = tpu.memref_slice %arg3[%add3A_116, %dma_wait3A_168] : memref<16384x1024xf32, #tpu.memory_space<hbm>> -> memref<32x1024xf32, #tpu.memory_space<hbm>>
    %dma_wait3A_170 = arith.constant 0 : i32
    %dma_wait3A_171 = arith.constant 0 : i32
    %dma_wait3A_172 = arith.constant 0 : i32
    %dma_wait3A_173 = tpu.memref_slice %arg4[%arg1, %dma_wait3A_170, %dma_wait3A_171, %dma_wait3A_172] : memref<16x3x32x1024xf32, #tpu.memory_space<vmem_shared>> -> memref<1x3x32x1024xf32, #tpu.memory_space<vmem_shared>>
    %dma_wait3A_174 = tpu.memref_squeeze %dma_wait3A_173 : memref<1x3x32x1024xf32, #tpu.memory_space<vmem_shared>> -> memref<3x32x1024xf32, #tpu.memory_space<vmem_shared>>
    %dma_wait3A_175 = arith.constant 0 : i32
    %dma_wait3A_176 = arith.constant 0 : i32
    %dma_wait3A_177 = tpu.memref_slice %dma_wait3A_174[%dma_wait3A_167, %dma_wait3A_175, %dma_wait3A_176] : memref<3x32x1024xf32, #tpu.memory_space<vmem_shared>> -> memref<1x32x1024xf32, #tpu.memory_space<vmem_shared>>
    %dma_wait3A_178 = tpu.memref_squeeze %dma_wait3A_177 : memref<1x32x1024xf32, #tpu.memory_space<vmem_shared>> -> memref<32x1024xf32, #tpu.memory_space<vmem_shared>>
    tpu.wait_dma2 semaphore(%arg8 : memref<!tpu.dma_semaphore, #tpu.memory_space<semaphore_mem>>) src(%dma_wait3A_178 : memref<32x1024xf32, #tpu.memory_space<vmem_shared>>) dst(%dma_wait3A_169 : memref<32x1024xf32, #tpu.memory_space<hbm>>)
    %add3A_179 = arith.constant 96 : i32
    %add3A_180 = arith.addi %add3A_75, %add3A_179 : i32
    %dma_start3A_181 = arith.constant 0 : i32
    %dma_start3A_182 = arith.constant 0 : i32
    %dma_start3A_183 = arith.constant 0 : i32
    %dma_start3A_184 = arith.constant 0 : i32
    %dma_start3A_185 = tpu.memref_slice %arg4[%arg1, %dma_start3A_182, %dma_start3A_183, %dma_start3A_184] : memref<16x3x32x1024xf32, #tpu.memory_space<vmem_shared>> -> memref<1x3x32x1024xf32, #tpu.memory_space<vmem_shared>>
    %dma_start3A_186 = tpu.memref_squeeze %dma_start3A_185 : memref<1x3x32x1024xf32, #tpu.memory_space<vmem_shared>> -> memref<3x32x1024xf32, #tpu.memory_space<vmem_shared>>
    %dma_start3A_187 = arith.constant 0 : i32
    %dma_start3A_188 = arith.constant 0 : i32
    %dma_start3A_189 = tpu.memref_slice %dma_start3A_186[%dma_start3A_181, %dma_start3A_187, %dma_start3A_188] : memref<3x32x1024xf32, #tpu.memory_space<vmem_shared>> -> memref<1x32x1024xf32, #tpu.memory_space<vmem_shared>>
    %dma_start3A_190 = tpu.memref_squeeze %dma_start3A_189 : memref<1x32x1024xf32, #tpu.memory_space<vmem_shared>> -> memref<32x1024xf32, #tpu.memory_space<vmem_shared>>
    %dma_start3A_191 = tpu.memref_slice %arg2[%add3A_180, %mul3A_77] : memref<8192x2048xf32, #tpu.memory_space<hbm>> -> memref<32x1024xf32, #tpu.memory_space<hbm>>
    tpu.enqueue_dma source(%dma_start3A_191 : memref<32x1024xf32, #tpu.memory_space<hbm>>) target(%dma_start3A_190 : memref<32x1024xf32, #tpu.memory_space<vmem_shared>>) target_semaphore(%arg5 : memref<!tpu.dma_semaphore, #tpu.memory_space<semaphore_mem>>)
    %dma_wait3A_192 = arith.constant 2 : i32
    %dma_wait3A_193 = arith.constant 0 : i32
    %dma_wait3A_194 = arith.constant 0 : i32
    %dma_wait3A_195 = arith.constant 0 : i32
    %dma_wait3A_196 = tpu.memref_slice %arg4[%arg1, %dma_wait3A_193, %dma_wait3A_194, %dma_wait3A_195] : memref<16x3x32x1024xf32, #tpu.memory_space<vmem_shared>> -> memref<1x3x32x1024xf32, #tpu.memory_space<vmem_shared>>
    %dma_wait3A_197 = tpu.memref_squeeze %dma_wait3A_196 : memref<1x3x32x1024xf32, #tpu.memory_space<vmem_shared>> -> memref<3x32x1024xf32, #tpu.memory_space<vmem_shared>>
    %dma_wait3A_198 = arith.constant 0 : i32
    %dma_wait3A_199 = arith.constant 0 : i32
    %dma_wait3A_200 = tpu.memref_slice %dma_wait3A_197[%dma_wait3A_192, %dma_wait3A_198, %dma_wait3A_199] : memref<3x32x1024xf32, #tpu.memory_space<vmem_shared>> -> memref<1x32x1024xf32, #tpu.memory_space<vmem_shared>>
    %dma_wait3A_201 = tpu.memref_squeeze %dma_wait3A_200 : memref<1x32x1024xf32, #tpu.memory_space<vmem_shared>> -> memref<32x1024xf32, #tpu.memory_space<vmem_shared>>
    %dma_wait3A_202 = tpu.memref_slice %arg2[%add3A_130, %mul3A_77] : memref<8192x2048xf32, #tpu.memory_space<hbm>> -> memref<32x1024xf32, #tpu.memory_space<hbm>>
    tpu.wait_dma2 semaphore(%arg7 : memref<!tpu.dma_semaphore, #tpu.memory_space<semaphore_mem>>) src(%dma_wait3A_202 : memref<32x1024xf32, #tpu.memory_space<hbm>>) dst(%dma_wait3A_201 : memref<32x1024xf32, #tpu.memory_space<vmem_shared>>)
    %add3A_203 = arith.constant 64 : i32
    %add3A_204 = arith.addi %mul3A_79, %add3A_203 : i32
    %dma_start3A_205 = arith.constant 2 : i32
    %dma_start3A_206 = arith.constant 0 : i32
    %dma_start3A_207 = tpu.memref_slice %arg3[%add3A_204, %dma_start3A_206] : memref<16384x1024xf32, #tpu.memory_space<hbm>> -> memref<32x1024xf32, #tpu.memory_space<hbm>>
    %dma_start3A_208 = arith.constant 0 : i32
    %dma_start3A_209 = arith.constant 0 : i32
    %dma_start3A_210 = arith.constant 0 : i32
    %dma_start3A_211 = tpu.memref_slice %arg4[%arg1, %dma_start3A_208, %dma_start3A_209, %dma_start3A_210] : memref<16x3x32x1024xf32, #tpu.memory_space<vmem_shared>> -> memref<1x3x32x1024xf32, #tpu.memory_space<vmem_shared>>
    %dma_start3A_212 = tpu.memref_squeeze %dma_start3A_211 : memref<1x3x32x1024xf32, #tpu.memory_space<vmem_shared>> -> memref<3x32x1024xf32, #tpu.memory_space<vmem_shared>>
    %dma_start3A_213 = arith.constant 0 : i32
    %dma_start3A_214 = arith.constant 0 : i32
    %dma_start3A_215 = tpu.memref_slice %dma_start3A_212[%dma_start3A_205, %dma_start3A_213, %dma_start3A_214] : memref<3x32x1024xf32, #tpu.memory_space<vmem_shared>> -> memref<1x32x1024xf32, #tpu.memory_space<vmem_shared>>
    %dma_start3A_216 = tpu.memref_squeeze %dma_start3A_215 : memref<1x32x1024xf32, #tpu.memory_space<vmem_shared>> -> memref<32x1024xf32, #tpu.memory_space<vmem_shared>>
    tpu.enqueue_dma source(%dma_start3A_216 : memref<32x1024xf32, #tpu.memory_space<vmem_shared>>) target(%dma_start3A_207 : memref<32x1024xf32, #tpu.memory_space<hbm>>) target_semaphore(%arg10 : memref<!tpu.dma_semaphore, #tpu.memory_space<semaphore_mem>>)
    %dma_wait3A_217 = arith.constant 1 : i32
    %dma_wait3A_218 = arith.constant 0 : i32
    %dma_wait3A_219 = tpu.memref_slice %arg3[%add3A_154, %dma_wait3A_218] : memref<16384x1024xf32, #tpu.memory_space<hbm>> -> memref<32x1024xf32, #tpu.memory_space<hbm>>
    %dma_wait3A_220 = arith.constant 0 : i32
    %dma_wait3A_221 = arith.constant 0 : i32
    %dma_wait3A_222 = arith.constant 0 : i32
    %dma_wait3A_223 = tpu.memref_slice %arg4[%arg1, %dma_wait3A_220, %dma_wait3A_221, %dma_wait3A_222] : memref<16x3x32x1024xf32, #tpu.memory_space<vmem_shared>> -> memref<1x3x32x1024xf32, #tpu.memory_space<vmem_shared>>
    %dma_wait3A_224 = tpu.memref_squeeze %dma_wait3A_223 : memref<1x3x32x1024xf32, #tpu.memory_space<vmem_shared>> -> memref<3x32x1024xf32, #tpu.memory_space<vmem_shared>>
    %dma_wait3A_225 = arith.constant 0 : i32
    %dma_wait3A_226 = arith.constant 0 : i32
    %dma_wait3A_227 = tpu.memref_slice %dma_wait3A_224[%dma_wait3A_217, %dma_wait3A_225, %dma_wait3A_226] : memref<3x32x1024xf32, #tpu.memory_space<vmem_shared>> -> memref<1x32x1024xf32, #tpu.memory_space<vmem_shared>>
    %dma_wait3A_228 = tpu.memref_squeeze %dma_wait3A_227 : memref<1x32x1024xf32, #tpu.memory_space<vmem_shared>> -> memref<32x1024xf32, #tpu.memory_space<vmem_shared>>
    tpu.wait_dma2 semaphore(%arg9 : memref<!tpu.dma_semaphore, #tpu.memory_space<semaphore_mem>>) src(%dma_wait3A_228 : memref<32x1024xf32, #tpu.memory_space<vmem_shared>>) dst(%dma_wait3A_219 : memref<32x1024xf32, #tpu.memory_space<hbm>>)
    %add3A_229 = arith.constant 128 : i32
    %add3A_230 = arith.addi %add3A_75, %add3A_229 : i32
    %dma_start3A_231 = arith.constant 1 : i32
    %dma_start3A_232 = arith.constant 0 : i32
    %dma_start3A_233 = arith.constant 0 : i32
    %dma_start3A_234 = arith.constant 0 : i32
    %dma_start3A_235 = tpu.memref_slice %arg4[%arg1, %dma_start3A_232, %dma_start3A_233, %dma_start3A_234] : memref<16x3x32x1024xf32, #tpu.memory_space<vmem_shared>> -> memref<1x3x32x1024xf32, #tpu.memory_space<vmem_shared>>
    %dma_start3A_236 = tpu.memref_squeeze %dma_start3A_235 : memref<1x3x32x1024xf32, #tpu.memory_space<vmem_shared>> -> memref<3x32x1024xf32, #tpu.memory_space<vmem_shared>>
    %dma_start3A_237 = arith.constant 0 : i32
    %dma_start3A_238 = arith.constant 0 : i32
    %dma_start3A_239 = tpu.memref_slice %dma_start3A_236[%dma_start3A_231, %dma_start3A_237, %dma_start3A_238] : memref<3x32x1024xf32, #tpu.memory_space<vmem_shared>> -> memref<1x32x1024xf32, #tpu.memory_space<vmem_shared>>
    %dma_start3A_240 = tpu.memref_squeeze %dma_start3A_239 : memref<1x32x1024xf32, #tpu.memory_space<vmem_shared>> -> memref<32x1024xf32, #tpu.memory_space<vmem_shared>>
    %dma_start3A_241 = tpu.memref_slice %arg2[%add3A_230, %mul3A_77] : memref<8192x2048xf32, #tpu.memory_space<hbm>> -> memref<32x1024xf32, #tpu.memory_space<hbm>>
    tpu.enqueue_dma source(%dma_start3A_241 : memref<32x1024xf32, #tpu.memory_space<hbm>>) target(%dma_start3A_240 : memref<32x1024xf32, #tpu.memory_space<vmem_shared>>) target_semaphore(%arg6 : memref<!tpu.dma_semaphore, #tpu.memory_space<semaphore_mem>>)
    %dma_wait3A_242 = arith.constant 0 : i32
    %dma_wait3A_243 = arith.constant 0 : i32
    %dma_wait3A_244 = arith.constant 0 : i32
    %dma_wait3A_245 = arith.constant 0 : i32
    %dma_wait3A_246 = tpu.memref_slice %arg4[%arg1, %dma_wait3A_243, %dma_wait3A_244, %dma_wait3A_245] : memref<16x3x32x1024xf32, #tpu.memory_space<vmem_shared>> -> memref<1x3x32x1024xf32, #tpu.memory_space<vmem_shared>>
    %dma_wait3A_247 = tpu.memref_squeeze %dma_wait3A_246 : memref<1x3x32x1024xf32, #tpu.memory_space<vmem_shared>> -> memref<3x32x1024xf32, #tpu.memory_space<vmem_shared>>
    %dma_wait3A_248 = arith.constant 0 : i32
    %dma_wait3A_249 = arith.constant 0 : i32
    %dma_wait3A_250 = tpu.memref_slice %dma_wait3A_247[%dma_wait3A_242, %dma_wait3A_248, %dma_wait3A_249] : memref<3x32x1024xf32, #tpu.memory_space<vmem_shared>> -> memref<1x32x1024xf32, #tpu.memory_space<vmem_shared>>
    %dma_wait3A_251 = tpu.memref_squeeze %dma_wait3A_250 : memref<1x32x1024xf32, #tpu.memory_space<vmem_shared>> -> memref<32x1024xf32, #tpu.memory_space<vmem_shared>>
    %dma_wait3A_252 = tpu.memref_slice %arg2[%add3A_180, %mul3A_77] : memref<8192x2048xf32, #tpu.memory_space<hbm>> -> memref<32x1024xf32, #tpu.memory_space<hbm>>
    tpu.wait_dma2 semaphore(%arg5 : memref<!tpu.dma_semaphore, #tpu.memory_space<semaphore_mem>>) src(%dma_wait3A_252 : memref<32x1024xf32, #tpu.memory_space<hbm>>) dst(%dma_wait3A_251 : memref<32x1024xf32, #tpu.memory_space<vmem_shared>>)
    %add3A_253 = arith.constant 96 : i32
    %add3A_254 = arith.addi %mul3A_79, %add3A_253 : i32
    %dma_start3A_255 = arith.constant 0 : i32
    %dma_start3A_256 = arith.constant 0 : i32
    %dma_start3A_257 = tpu.memref_slice %arg3[%add3A_254, %dma_start3A_256] : memref<16384x1024xf32, #tpu.memory_space<hbm>> -> memref<32x1024xf32, #tpu.memory_space<hbm>>
    %dma_start3A_258 = arith.constant 0 : i32
    %dma_start3A_259 = arith.constant 0 : i32
    %dma_start3A_260 = arith.constant 0 : i32
    %dma_start3A_261 = tpu.memref_slice %arg4[%arg1, %dma_start3A_258, %dma_start3A_259, %dma_start3A_260] : memref<16x3x32x1024xf32, #tpu.memory_space<vmem_shared>> -> memref<1x3x32x1024xf32, #tpu.memory_space<vmem_shared>>
    %dma_start3A_262 = tpu.memref_squeeze %dma_start3A_261 : memref<1x3x32x1024xf32, #tpu.memory_space<vmem_shared>> -> memref<3x32x1024xf32, #tpu.memory_space<vmem_shared>>
    %dma_start3A_263 = arith.constant 0 : i32
    %dma_start3A_264 = arith.constant 0 : i32
    %dma_start3A_265 = tpu.memref_slice %dma_start3A_262[%dma_start3A_255, %dma_start3A_263, %dma_start3A_264] : memref<3x32x1024xf32, #tpu.memory_space<vmem_shared>> -> memref<1x32x1024xf32, #tpu.memory_space<vmem_shared>>
    %dma_start3A_266 = tpu.memref_squeeze %dma_start3A_265 : memref<1x32x1024xf32, #tpu.memory_space<vmem_shared>> -> memref<32x1024xf32, #tpu.memory_space<vmem_shared>>
    tpu.enqueue_dma source(%dma_start3A_266 : memref<32x1024xf32, #tpu.memory_space<vmem_shared>>) target(%dma_start3A_257 : memref<32x1024xf32, #tpu.memory_space<hbm>>) target_semaphore(%arg8 : memref<!tpu.dma_semaphore, #tpu.memory_space<semaphore_mem>>)
    %dma_wait3A_267 = arith.constant 2 : i32
    %dma_wait3A_268 = arith.constant 0 : i32
    %dma_wait3A_269 = tpu.memref_slice %arg3[%add3A_204, %dma_wait3A_268] : memref<16384x1024xf32, #tpu.memory_space<hbm>> -> memref<32x1024xf32, #tpu.memory_space<hbm>>
    %dma_wait3A_270 = arith.constant 0 : i32
    %dma_wait3A_271 = arith.constant 0 : i32
    %dma_wait3A_272 = arith.constant 0 : i32
    %dma_wait3A_273 = tpu.memref_slice %arg4[%arg1, %dma_wait3A_270, %dma_wait3A_271, %dma_wait3A_272] : memref<16x3x32x1024xf32, #tpu.memory_space<vmem_shared>> -> memref<1x3x32x1024xf32, #tpu.memory_space<vmem_shared>>
    %dma_wait3A_274 = tpu.memref_squeeze %dma_wait3A_273 : memref<1x3x32x1024xf32, #tpu.memory_space<vmem_shared>> -> memref<3x32x1024xf32, #tpu.memory_space<vmem_shared>>
    %dma_wait3A_275 = arith.constant 0 : i32
    %dma_wait3A_276 = arith.constant 0 : i32
    %dma_wait3A_277 = tpu.memref_slice %dma_wait3A_274[%dma_wait3A_267, %dma_wait3A_275, %dma_wait3A_276] : memref<3x32x1024xf32, #tpu.memory_space<vmem_shared>> -> memref<1x32x1024xf32, #tpu.memory_space<vmem_shared>>
    %dma_wait3A_278 = tpu.memref_squeeze %dma_wait3A_277 : memref<1x32x1024xf32, #tpu.memory_space<vmem_shared>> -> memref<32x1024xf32, #tpu.memory_space<vmem_shared>>
    tpu.wait_dma2 semaphore(%arg10 : memref<!tpu.dma_semaphore, #tpu.memory_space<semaphore_mem>>) src(%dma_wait3A_278 : memref<32x1024xf32, #tpu.memory_space<vmem_shared>>) dst(%dma_wait3A_269 : memref<32x1024xf32, #tpu.memory_space<hbm>>)
    %add3A_279 = arith.constant 160 : i32
    %add3A_280 = arith.addi %add3A_75, %add3A_279 : i32
    %dma_start3A_281 = arith.constant 2 : i32
    %dma_start3A_282 = arith.constant 0 : i32
    %dma_start3A_283 = arith.constant 0 : i32
    %dma_start3A_284 = arith.constant 0 : i32
    %dma_start3A_285 = tpu.memref_slice %arg4[%arg1, %dma_start3A_282, %dma_start3A_283, %dma_start3A_284] : memref<16x3x32x1024xf32, #tpu.memory_space<vmem_shared>> -> memref<1x3x32x1024xf32, #tpu.memory_space<vmem_shared>>
    %dma_start3A_286 = tpu.memref_squeeze %dma_start3A_285 : memref<1x3x32x1024xf32, #tpu.memory_space<vmem_shared>> -> memref<3x32x1024xf32, #tpu.memory_space<vmem_shared>>
    %dma_start3A_287 = arith.constant 0 : i32
    %dma_start3A_288 = arith.constant 0 : i32
    %dma_start3A_289 = tpu.memref_slice %dma_start3A_286[%dma_start3A_281, %dma_start3A_287, %dma_start3A_288] : memref<3x32x1024xf32, #tpu.memory_space<vmem_shared>> -> memref<1x32x1024xf32, #tpu.memory_space<vmem_shared>>
    %dma_start3A_290 = tpu.memref_squeeze %dma_start3A_289 : memref<1x32x1024xf32, #tpu.memory_space<vmem_shared>> -> memref<32x1024xf32, #tpu.memory_space<vmem_shared>>
    %dma_start3A_291 = tpu.memref_slice %arg2[%add3A_280, %mul3A_77] : memref<8192x2048xf32, #tpu.memory_space<hbm>> -> memref<32x1024xf32, #tpu.memory_space<hbm>>
    tpu.enqueue_dma source(%dma_start3A_291 : memref<32x1024xf32, #tpu.memory_space<hbm>>) target(%dma_start3A_290 : memref<32x1024xf32, #tpu.memory_space<vmem_shared>>) target_semaphore(%arg7 : memref<!tpu.dma_semaphore, #tpu.memory_space<semaphore_mem>>)
    %dma_wait3A_292 = arith.constant 1 : i32
    %dma_wait3A_293 = arith.constant 0 : i32
    %dma_wait3A_294 = arith.constant 0 : i32
    %dma_wait3A_295 = arith.constant 0 : i32
    %dma_wait3A_296 = tpu.memref_slice %arg4[%arg1, %dma_wait3A_293, %dma_wait3A_294, %dma_wait3A_295] : memref<16x3x32x1024xf32, #tpu.memory_space<vmem_shared>> -> memref<1x3x32x1024xf32, #tpu.memory_space<vmem_shared>>
    %dma_wait3A_297 = tpu.memref_squeeze %dma_wait3A_296 : memref<1x3x32x1024xf32, #tpu.memory_space<vmem_shared>> -> memref<3x32x1024xf32, #tpu.memory_space<vmem_shared>>
    %dma_wait3A_298 = arith.constant 0 : i32
    %dma_wait3A_299 = arith.constant 0 : i32
    %dma_wait3A_300 = tpu.memref_slice %dma_wait3A_297[%dma_wait3A_292, %dma_wait3A_298, %dma_wait3A_299] : memref<3x32x1024xf32, #tpu.memory_space<vmem_shared>> -> memref<1x32x1024xf32, #tpu.memory_space<vmem_shared>>
    %dma_wait3A_301 = tpu.memref_squeeze %dma_wait3A_300 : memref<1x32x1024xf32, #tpu.memory_space<vmem_shared>> -> memref<32x1024xf32, #tpu.memory_space<vmem_shared>>
    %dma_wait3A_302 = tpu.memref_slice %arg2[%add3A_230, %mul3A_77] : memref<8192x2048xf32, #tpu.memory_space<hbm>> -> memref<32x1024xf32, #tpu.memory_space<hbm>>
    tpu.wait_dma2 semaphore(%arg6 : memref<!tpu.dma_semaphore, #tpu.memory_space<semaphore_mem>>) src(%dma_wait3A_302 : memref<32x1024xf32, #tpu.memory_space<hbm>>) dst(%dma_wait3A_301 : memref<32x1024xf32, #tpu.memory_space<vmem_shared>>)
    %add3A_303 = arith.constant 128 : i32
    %add3A_304 = arith.addi %mul3A_79, %add3A_303 : i32
    %dma_start3A_305 = arith.constant 1 : i32
    %dma_start3A_306 = arith.constant 0 : i32
    %dma_start3A_307 = tpu.memref_slice %arg3[%add3A_304, %dma_start3A_306] : memref<16384x1024xf32, #tpu.memory_space<hbm>> -> memref<32x1024xf32, #tpu.memory_space<hbm>>
    %dma_start3A_308 = arith.constant 0 : i32
    %dma_start3A_309 = arith.constant 0 : i32
    %dma_start3A_310 = arith.constant 0 : i32
    %dma_start3A_311 = tpu.memref_slice %arg4[%arg1, %dma_start3A_308, %dma_start3A_309, %dma_start3A_310] : memref<16x3x32x1024xf32, #tpu.memory_space<vmem_shared>> -> memref<1x3x32x1024xf32, #tpu.memory_space<vmem_shared>>
    %dma_start3A_312 = tpu.memref_squeeze %dma_start3A_311 : memref<1x3x32x1024xf32, #tpu.memory_space<vmem_shared>> -> memref<3x32x1024xf32, #tpu.memory_space<vmem_shared>>
    %dma_start3A_313 = arith.constant 0 : i32
    %dma_start3A_314 = arith.constant 0 : i32
    %dma_start3A_315 = tpu.memref_slice %dma_start3A_312[%dma_start3A_305, %dma_start3A_313, %dma_start3A_314] : memref<3x32x1024xf32, #tpu.memory_space<vmem_shared>> -> memref<1x32x1024xf32, #tpu.memory_space<vmem_shared>>
    %dma_start3A_316 = tpu.memref_squeeze %dma_start3A_315 : memref<1x32x1024xf32, #tpu.memory_space<vmem_shared>> -> memref<32x1024xf32, #tpu.memory_space<vmem_shared>>
    tpu.enqueue_dma source(%dma_start3A_316 : memref<32x1024xf32, #tpu.memory_space<vmem_shared>>) target(%dma_start3A_307 : memref<32x1024xf32, #tpu.memory_space<hbm>>) target_semaphore(%arg9 : memref<!tpu.dma_semaphore, #tpu.memory_space<semaphore_mem>>)
    %dma_wait3A_317 = arith.constant 0 : i32
    %dma_wait3A_318 = arith.constant 0 : i32
    %dma_wait3A_319 = tpu.memref_slice %arg3[%add3A_254, %dma_wait3A_318] : memref<16384x1024xf32, #tpu.memory_space<hbm>> -> memref<32x1024xf32, #tpu.memory_space<hbm>>
    %dma_wait3A_320 = arith.constant 0 : i32
    %dma_wait3A_321 = arith.constant 0 : i32
    %dma_wait3A_322 = arith.constant 0 : i32
    %dma_wait3A_323 = tpu.memref_slice %arg4[%arg1, %dma_wait3A_320, %dma_wait3A_321, %dma_wait3A_322] : memref<16x3x32x1024xf32, #tpu.memory_space<vmem_shared>> -> memref<1x3x32x1024xf32, #tpu.memory_space<vmem_shared>>
    %dma_wait3A_324 = tpu.memref_squeeze %dma_wait3A_323 : memref<1x3x32x1024xf32, #tpu.memory_space<vmem_shared>> -> memref<3x32x1024xf32, #tpu.memory_space<vmem_shared>>
    %dma_wait3A_325 = arith.constant 0 : i32
    %dma_wait3A_326 = arith.constant 0 : i32
    %dma_wait3A_327 = tpu.memref_slice %dma_wait3A_324[%dma_wait3A_317, %dma_wait3A_325, %dma_wait3A_326] : memref<3x32x1024xf32, #tpu.memory_space<vmem_shared>> -> memref<1x32x1024xf32, #tpu.memory_space<vmem_shared>>
    %dma_wait3A_328 = tpu.memref_squeeze %dma_wait3A_327 : memref<1x32x1024xf32, #tpu.memory_space<vmem_shared>> -> memref<32x1024xf32, #tpu.memory_space<vmem_shared>>
    tpu.wait_dma2 semaphore(%arg8 : memref<!tpu.dma_semaphore, #tpu.memory_space<semaphore_mem>>) src(%dma_wait3A_328 : memref<32x1024xf32, #tpu.memory_space<vmem_shared>>) dst(%dma_wait3A_319 : memref<32x1024xf32, #tpu.memory_space<hbm>>)
    %add3A_329 = arith.constant 192 : i32
    %add3A_330 = arith.addi %add3A_75, %add3A_329 : i32
    %dma_start3A_331 = arith.constant 0 : i32
    %dma_start3A_332 = arith.constant 0 : i32
    %dma_start3A_333 = arith.constant 0 : i32
    %dma_start3A_334 = arith.constant 0 : i32
    %dma_start3A_335 = tpu.memref_slice %arg4[%arg1, %dma_start3A_332, %dma_start3A_333, %dma_start3A_334] : memref<16x3x32x1024xf32, #tpu.memory_space<vmem_shared>> -> memref<1x3x32x1024xf32, #tpu.memory_space<vmem_shared>>
    %dma_start3A_336 = tpu.memref_squeeze %dma_start3A_335 : memref<1x3x32x1024xf32, #tpu.memory_space<vmem_shared>> -> memref<3x32x1024xf32, #tpu.memory_space<vmem_shared>>
    %dma_start3A_337 = arith.constant 0 : i32
    %dma_start3A_338 = arith.constant 0 : i32
    %dma_start3A_339 = tpu.memref_slice %dma_start3A_336[%dma_start3A_331, %dma_start3A_337, %dma_start3A_338] : memref<3x32x1024xf32, #tpu.memory_space<vmem_shared>> -> memref<1x32x1024xf32, #tpu.memory_space<vmem_shared>>
    %dma_start3A_340 = tpu.memref_squeeze %dma_start3A_339 : memref<1x32x1024xf32, #tpu.memory_space<vmem_shared>> -> memref<32x1024xf32, #tpu.memory_space<vmem_shared>>
    %dma_start3A_341 = tpu.memref_slice %arg2[%add3A_330, %mul3A_77] : memref<8192x2048xf32, #tpu.memory_space<hbm>> -> memref<32x1024xf32, #tpu.memory_space<hbm>>
    tpu.enqueue_dma source(%dma_start3A_341 : memref<32x1024xf32, #tpu.memory_space<hbm>>) target(%dma_start3A_340 : memref<32x1024xf32, #tpu.memory_space<vmem_shared>>) target_semaphore(%arg5 : memref<!tpu.dma_semaphore, #tpu.memory_space<semaphore_mem>>)
    %dma_wait3A_342 = arith.constant 2 : i32
    %dma_wait3A_343 = arith.constant 0 : i32
    %dma_wait3A_344 = arith.constant 0 : i32
    %dma_wait3A_345 = arith.constant 0 : i32
    %dma_wait3A_346 = tpu.memref_slice %arg4[%arg1, %dma_wait3A_343, %dma_wait3A_344, %dma_wait3A_345] : memref<16x3x32x1024xf32, #tpu.memory_space<vmem_shared>> -> memref<1x3x32x1024xf32, #tpu.memory_space<vmem_shared>>
    %dma_wait3A_347 = tpu.memref_squeeze %dma_wait3A_346 : memref<1x3x32x1024xf32, #tpu.memory_space<vmem_shared>> -> memref<3x32x1024xf32, #tpu.memory_space<vmem_shared>>
    %dma_wait3A_348 = arith.constant 0 : i32
    %dma_wait3A_349 = arith.constant 0 : i32
    %dma_wait3A_350 = tpu.memref_slice %dma_wait3A_347[%dma_wait3A_342, %dma_wait3A_348, %dma_wait3A_349] : memref<3x32x1024xf32, #tpu.memory_space<vmem_shared>> -> memref<1x32x1024xf32, #tpu.memory_space<vmem_shared>>
    %dma_wait3A_351 = tpu.memref_squeeze %dma_wait3A_350 : memref<1x32x1024xf32, #tpu.memory_space<vmem_shared>> -> memref<32x1024xf32, #tpu.memory_space<vmem_shared>>
    %dma_wait3A_352 = tpu.memref_slice %arg2[%add3A_280, %mul3A_77] : memref<8192x2048xf32, #tpu.memory_space<hbm>> -> memref<32x1024xf32, #tpu.memory_space<hbm>>
    tpu.wait_dma2 semaphore(%arg7 : memref<!tpu.dma_semaphore, #tpu.memory_space<semaphore_mem>>) src(%dma_wait3A_352 : memref<32x1024xf32, #tpu.memory_space<hbm>>) dst(%dma_wait3A_351 : memref<32x1024xf32, #tpu.memory_space<vmem_shared>>)
    %add3A_353 = arith.constant 160 : i32
    %add3A_354 = arith.addi %mul3A_79, %add3A_353 : i32
    %dma_start3A_355 = arith.constant 2 : i32
    %dma_start3A_356 = arith.constant 0 : i32
    %dma_start3A_357 = tpu.memref_slice %arg3[%add3A_354, %dma_start3A_356] : memref<16384x1024xf32, #tpu.memory_space<hbm>> -> memref<32x1024xf32, #tpu.memory_space<hbm>>
    %dma_start3A_358 = arith.constant 0 : i32
    %dma_start3A_359 = arith.constant 0 : i32
    %dma_start3A_360 = arith.constant 0 : i32
    %dma_start3A_361 = tpu.memref_slice %arg4[%arg1, %dma_start3A_358, %dma_start3A_359, %dma_start3A_360] : memref<16x3x32x1024xf32, #tpu.memory_space<vmem_shared>> -> memref<1x3x32x1024xf32, #tpu.memory_space<vmem_shared>>
    %dma_start3A_362 = tpu.memref_squeeze %dma_start3A_361 : memref<1x3x32x1024xf32, #tpu.memory_space<vmem_shared>> -> memref<3x32x1024xf32, #tpu.memory_space<vmem_shared>>
    %dma_start3A_363 = arith.constant 0 : i32
    %dma_start3A_364 = arith.constant 0 : i32
    %dma_start3A_365 = tpu.memref_slice %dma_start3A_362[%dma_start3A_355, %dma_start3A_363, %dma_start3A_364] : memref<3x32x1024xf32, #tpu.memory_space<vmem_shared>> -> memref<1x32x1024xf32, #tpu.memory_space<vmem_shared>>
    %dma_start3A_366 = tpu.memref_squeeze %dma_start3A_365 : memref<1x32x1024xf32, #tpu.memory_space<vmem_shared>> -> memref<32x1024xf32, #tpu.memory_space<vmem_shared>>
    tpu.enqueue_dma source(%dma_start3A_366 : memref<32x1024xf32, #tpu.memory_space<vmem_shared>>) target(%dma_start3A_357 : memref<32x1024xf32, #tpu.memory_space<hbm>>) target_semaphore(%arg10 : memref<!tpu.dma_semaphore, #tpu.memory_space<semaphore_mem>>)
    %dma_wait3A_367 = arith.constant 1 : i32
    %dma_wait3A_368 = arith.constant 0 : i32
    %dma_wait3A_369 = tpu.memref_slice %arg3[%add3A_304, %dma_wait3A_368] : memref<16384x1024xf32, #tpu.memory_space<hbm>> -> memref<32x1024xf32, #tpu.memory_space<hbm>>
    %dma_wait3A_370 = arith.constant 0 : i32
    %dma_wait3A_371 = arith.constant 0 : i32
    %dma_wait3A_372 = arith.constant 0 : i32
    %dma_wait3A_373 = tpu.memref_slice %arg4[%arg1, %dma_wait3A_370, %dma_wait3A_371, %dma_wait3A_372] : memref<16x3x32x1024xf32, #tpu.memory_space<vmem_shared>> -> memref<1x3x32x1024xf32, #tpu.memory_space<vmem_shared>>
    %dma_wait3A_374 = tpu.memref_squeeze %dma_wait3A_373 : memref<1x3x32x1024xf32, #tpu.memory_space<vmem_shared>> -> memref<3x32x1024xf32, #tpu.memory_space<vmem_shared>>
    %dma_wait3A_375 = arith.constant 0 : i32
    %dma_wait3A_376 = arith.constant 0 : i32
    %dma_wait3A_377 = tpu.memref_slice %dma_wait3A_374[%dma_wait3A_367, %dma_wait3A_375, %dma_wait3A_376] : memref<3x32x1024xf32, #tpu.memory_space<vmem_shared>> -> memref<1x32x1024xf32, #tpu.memory_space<vmem_shared>>
    %dma_wait3A_378 = tpu.memref_squeeze %dma_wait3A_377 : memref<1x32x1024xf32, #tpu.memory_space<vmem_shared>> -> memref<32x1024xf32, #tpu.memory_space<vmem_shared>>
    tpu.wait_dma2 semaphore(%arg9 : memref<!tpu.dma_semaphore, #tpu.memory_space<semaphore_mem>>) src(%dma_wait3A_378 : memref<32x1024xf32, #tpu.memory_space<vmem_shared>>) dst(%dma_wait3A_369 : memref<32x1024xf32, #tpu.memory_space<hbm>>)
    %add3A_379 = arith.constant 224 : i32
    %add3A_380 = arith.addi %add3A_75, %add3A_379 : i32
    %dma_start3A_381 = arith.constant 1 : i32
    %dma_start3A_382 = arith.constant 0 : i32
    %dma_start3A_383 = arith.constant 0 : i32
    %dma_start3A_384 = arith.constant 0 : i32
    %dma_start3A_385 = tpu.memref_slice %arg4[%arg1, %dma_start3A_382, %dma_start3A_383, %dma_start3A_384] : memref<16x3x32x1024xf32, #tpu.memory_space<vmem_shared>> -> memref<1x3x32x1024xf32, #tpu.memory_space<vmem_shared>>
    %dma_start3A_386 = tpu.memref_squeeze %dma_start3A_385 : memref<1x3x32x1024xf32, #tpu.memory_space<vmem_shared>> -> memref<3x32x1024xf32, #tpu.memory_space<vmem_shared>>
    %dma_start3A_387 = arith.constant 0 : i32
    %dma_start3A_388 = arith.constant 0 : i32
    %dma_start3A_389 = tpu.memref_slice %dma_start3A_386[%dma_start3A_381, %dma_start3A_387, %dma_start3A_388] : memref<3x32x1024xf32, #tpu.memory_space<vmem_shared>> -> memref<1x32x1024xf32, #tpu.memory_space<vmem_shared>>
    %dma_start3A_390 = tpu.memref_squeeze %dma_start3A_389 : memref<1x32x1024xf32, #tpu.memory_space<vmem_shared>> -> memref<32x1024xf32, #tpu.memory_space<vmem_shared>>
    %dma_start3A_391 = tpu.memref_slice %arg2[%add3A_380, %mul3A_77] : memref<8192x2048xf32, #tpu.memory_space<hbm>> -> memref<32x1024xf32, #tpu.memory_space<hbm>>
    tpu.enqueue_dma source(%dma_start3A_391 : memref<32x1024xf32, #tpu.memory_space<hbm>>) target(%dma_start3A_390 : memref<32x1024xf32, #tpu.memory_space<vmem_shared>>) target_semaphore(%arg6 : memref<!tpu.dma_semaphore, #tpu.memory_space<semaphore_mem>>)
    %dma_wait3A_392 = arith.constant 0 : i32
    %dma_wait3A_393 = arith.constant 0 : i32
    %dma_wait3A_394 = arith.constant 0 : i32
    %dma_wait3A_395 = arith.constant 0 : i32
    %dma_wait3A_396 = tpu.memref_slice %arg4[%arg1, %dma_wait3A_393, %dma_wait3A_394, %dma_wait3A_395] : memref<16x3x32x1024xf32, #tpu.memory_space<vmem_shared>> -> memref<1x3x32x1024xf32, #tpu.memory_space<vmem_shared>>
    %dma_wait3A_397 = tpu.memref_squeeze %dma_wait3A_396 : memref<1x3x32x1024xf32, #tpu.memory_space<vmem_shared>> -> memref<3x32x1024xf32, #tpu.memory_space<vmem_shared>>
    %dma_wait3A_398 = arith.constant 0 : i32
    %dma_wait3A_399 = arith.constant 0 : i32
    %dma_wait3A_400 = tpu.memref_slice %dma_wait3A_397[%dma_wait3A_392, %dma_wait3A_398, %dma_wait3A_399] : memref<3x32x1024xf32, #tpu.memory_space<vmem_shared>> -> memref<1x32x1024xf32, #tpu.memory_space<vmem_shared>>
    %dma_wait3A_401 = tpu.memref_squeeze %dma_wait3A_400 : memref<1x32x1024xf32, #tpu.memory_space<vmem_shared>> -> memref<32x1024xf32, #tpu.memory_space<vmem_shared>>
    %dma_wait3A_402 = tpu.memref_slice %arg2[%add3A_330, %mul3A_77] : memref<8192x2048xf32, #tpu.memory_space<hbm>> -> memref<32x1024xf32, #tpu.memory_space<hbm>>
    tpu.wait_dma2 semaphore(%arg5 : memref<!tpu.dma_semaphore, #tpu.memory_space<semaphore_mem>>) src(%dma_wait3A_402 : memref<32x1024xf32, #tpu.memory_space<hbm>>) dst(%dma_wait3A_401 : memref<32x1024xf32, #tpu.memory_space<vmem_shared>>)
    %add3A_403 = arith.constant 192 : i32
    %add3A_404 = arith.addi %mul3A_79, %add3A_403 : i32
    %dma_start3A_405 = arith.constant 0 : i32
    %dma_start3A_406 = arith.constant 0 : i32
    %dma_start3A_407 = tpu.memref_slice %arg3[%add3A_404, %dma_start3A_406] : memref<16384x1024xf32, #tpu.memory_space<hbm>> -> memref<32x1024xf32, #tpu.memory_space<hbm>>
    %dma_start3A_408 = arith.constant 0 : i32
    %dma_start3A_409 = arith.constant 0 : i32
    %dma_start3A_410 = arith.constant 0 : i32
    %dma_start3A_411 = tpu.memref_slice %arg4[%arg1, %dma_start3A_408, %dma_start3A_409, %dma_start3A_410] : memref<16x3x32x1024xf32, #tpu.memory_space<vmem_shared>> -> memref<1x3x32x1024xf32, #tpu.memory_space<vmem_shared>>
    %dma_start3A_412 = tpu.memref_squeeze %dma_start3A_411 : memref<1x3x32x1024xf32, #tpu.memory_space<vmem_shared>> -> memref<3x32x1024xf32, #tpu.memory_space<vmem_shared>>
    %dma_start3A_413 = arith.constant 0 : i32
    %dma_start3A_414 = arith.constant 0 : i32
    %dma_start3A_415 = tpu.memref_slice %dma_start3A_412[%dma_start3A_405, %dma_start3A_413, %dma_start3A_414] : memref<3x32x1024xf32, #tpu.memory_space<vmem_shared>> -> memref<1x32x1024xf32, #tpu.memory_space<vmem_shared>>
    %dma_start3A_416 = tpu.memref_squeeze %dma_start3A_415 : memref<1x32x1024xf32, #tpu.memory_space<vmem_shared>> -> memref<32x1024xf32, #tpu.memory_space<vmem_shared>>
    tpu.enqueue_dma source(%dma_start3A_416 : memref<32x1024xf32, #tpu.memory_space<vmem_shared>>) target(%dma_start3A_407 : memref<32x1024xf32, #tpu.memory_space<hbm>>) target_semaphore(%arg8 : memref<!tpu.dma_semaphore, #tpu.memory_space<semaphore_mem>>)
    %dma_wait3A_417 = arith.constant 2 : i32
    %dma_wait3A_418 = arith.constant 0 : i32
    %dma_wait3A_419 = tpu.memref_slice %arg3[%add3A_354, %dma_wait3A_418] : memref<16384x1024xf32, #tpu.memory_space<hbm>> -> memref<32x1024xf32, #tpu.memory_space<hbm>>
    %dma_wait3A_420 = arith.constant 0 : i32
    %dma_wait3A_421 = arith.constant 0 : i32
    %dma_wait3A_422 = arith.constant 0 : i32
    %dma_wait3A_423 = tpu.memref_slice %arg4[%arg1, %dma_wait3A_420, %dma_wait3A_421, %dma_wait3A_422] : memref<16x3x32x1024xf32, #tpu.memory_space<vmem_shared>> -> memref<1x3x32x1024xf32, #tpu.memory_space<vmem_shared>>
    %dma_wait3A_424 = tpu.memref_squeeze %dma_wait3A_423 : memref<1x3x32x1024xf32, #tpu.memory_space<vmem_shared>> -> memref<3x32x1024xf32, #tpu.memory_space<vmem_shared>>
    %dma_wait3A_425 = arith.constant 0 : i32
    %dma_wait3A_426 = arith.constant 0 : i32
    %dma_wait3A_427 = tpu.memref_slice %dma_wait3A_424[%dma_wait3A_417, %dma_wait3A_425, %dma_wait3A_426] : memref<3x32x1024xf32, #tpu.memory_space<vmem_shared>> -> memref<1x32x1024xf32, #tpu.memory_space<vmem_shared>>
    %dma_wait3A_428 = tpu.memref_squeeze %dma_wait3A_427 : memref<1x32x1024xf32, #tpu.memory_space<vmem_shared>> -> memref<32x1024xf32, #tpu.memory_space<vmem_shared>>
    tpu.wait_dma2 semaphore(%arg10 : memref<!tpu.dma_semaphore, #tpu.memory_space<semaphore_mem>>) src(%dma_wait3A_428 : memref<32x1024xf32, #tpu.memory_space<vmem_shared>>) dst(%dma_wait3A_419 : memref<32x1024xf32, #tpu.memory_space<hbm>>)
    %add3A_429 = arith.constant 256 : i32
    %add3A_430 = arith.addi %add3A_75, %add3A_429 : i32
    %dma_start3A_431 = arith.constant 2 : i32
    %dma_start3A_432 = arith.constant 0 : i32
    %dma_start3A_433 = arith.constant 0 : i32
    %dma_start3A_434 = arith.constant 0 : i32
    %dma_start3A_435 = tpu.memref_slice %arg4[%arg1, %dma_start3A_432, %dma_start3A_433, %dma_start3A_434] : memref<16x3x32x1024xf32, #tpu.memory_space<vmem_shared>> -> memref<1x3x32x1024xf32, #tpu.memory_space<vmem_shared>>
    %dma_start3A_436 = tpu.memref_squeeze %dma_start3A_435 : memref<1x3x32x1024xf32, #tpu.memory_space<vmem_shared>> -> memref<3x32x1024xf32, #tpu.memory_space<vmem_shared>>
    %dma_start3A_437 = arith.constant 0 : i32
    %dma_start3A_438 = arith.constant 0 : i32
    %dma_start3A_439 = tpu.memref_slice %dma_start3A_436[%dma_start3A_431, %dma_start3A_437, %dma_start3A_438] : memref<3x32x1024xf32, #tpu.memory_space<vmem_shared>> -> memref<1x32x1024xf32, #tpu.memory_space<vmem_shared>>
    %dma_start3A_440 = tpu.memref_squeeze %dma_start3A_439 : memref<1x32x1024xf32, #tpu.memory_space<vmem_shared>> -> memref<32x1024xf32, #tpu.memory_space<vmem_shared>>
    %dma_start3A_441 = tpu.memref_slice %arg2[%add3A_430, %mul3A_77] : memref<8192x2048xf32, #tpu.memory_space<hbm>> -> memref<32x1024xf32, #tpu.memory_space<hbm>>
    tpu.enqueue_dma source(%dma_start3A_441 : memref<32x1024xf32, #tpu.memory_space<hbm>>) target(%dma_start3A_440 : memref<32x1024xf32, #tpu.memory_space<vmem_shared>>) target_semaphore(%arg7 : memref<!tpu.dma_semaphore, #tpu.memory_space<semaphore_mem>>)
    %dma_wait3A_442 = arith.constant 1 : i32
    %dma_wait3A_443 = arith.constant 0 : i32
    %dma_wait3A_444 = arith.constant 0 : i32
    %dma_wait3A_445 = arith.constant 0 : i32
    %dma_wait3A_446 = tpu.memref_slice %arg4[%arg1, %dma_wait3A_443, %dma_wait3A_444, %dma_wait3A_445] : memref<16x3x32x1024xf32, #tpu.memory_space<vmem_shared>> -> memref<1x3x32x1024xf32, #tpu.memory_space<vmem_shared>>
    %dma_wait3A_447 = tpu.memref_squeeze %dma_wait3A_446 : memref<1x3x32x1024xf32, #tpu.memory_space<vmem_shared>> -> memref<3x32x1024xf32, #tpu.memory_space<vmem_shared>>
    %dma_wait3A_448 = arith.constant 0 : i32
    %dma_wait3A_449 = arith.constant 0 : i32
    %dma_wait3A_450 = tpu.memref_slice %dma_wait3A_447[%dma_wait3A_442, %dma_wait3A_448, %dma_wait3A_449] : memref<3x32x1024xf32, #tpu.memory_space<vmem_shared>> -> memref<1x32x1024xf32, #tpu.memory_space<vmem_shared>>
    %dma_wait3A_451 = tpu.memref_squeeze %dma_wait3A_450 : memref<1x32x1024xf32, #tpu.memory_space<vmem_shared>> -> memref<32x1024xf32, #tpu.memory_space<vmem_shared>>
    %dma_wait3A_452 = tpu.memref_slice %arg2[%add3A_380, %mul3A_77] : memref<8192x2048xf32, #tpu.memory_space<hbm>> -> memref<32x1024xf32, #tpu.memory_space<hbm>>
    tpu.wait_dma2 semaphore(%arg6 : memref<!tpu.dma_semaphore, #tpu.memory_space<semaphore_mem>>) src(%dma_wait3A_452 : memref<32x1024xf32, #tpu.memory_space<hbm>>) dst(%dma_wait3A_451 : memref<32x1024xf32, #tpu.memory_space<vmem_shared>>)
    %add3A_453 = arith.constant 224 : i32
    %add3A_454 = arith.addi %mul3A_79, %add3A_453 : i32
    %dma_start3A_455 = arith.constant 1 : i32
    %dma_start3A_456 = arith.constant 0 : i32
    %dma_start3A_457 = tpu.memref_slice %arg3[%add3A_454, %dma_start3A_456] : memref<16384x1024xf32, #tpu.memory_space<hbm>> -> memref<32x1024xf32, #tpu.memory_space<hbm>>
    %dma_start3A_458 = arith.constant 0 : i32
    %dma_start3A_459 = arith.constant 0 : i32
    %dma_start3A_460 = arith.constant 0 : i32
    %dma_start3A_461 = tpu.memref_slice %arg4[%arg1, %dma_start3A_458, %dma_start3A_459, %dma_start3A_460] : memref<16x3x32x1024xf32, #tpu.memory_space<vmem_shared>> -> memref<1x3x32x1024xf32, #tpu.memory_space<vmem_shared>>
    %dma_start3A_462 = tpu.memref_squeeze %dma_start3A_461 : memref<1x3x32x1024xf32, #tpu.memory_space<vmem_shared>> -> memref<3x32x1024xf32, #tpu.memory_space<vmem_shared>>
    %dma_start3A_463 = arith.constant 0 : i32
    %dma_start3A_464 = arith.constant 0 : i32
    %dma_start3A_465 = tpu.memref_slice %dma_start3A_462[%dma_start3A_455, %dma_start3A_463, %dma_start3A_464] : memref<3x32x1024xf32, #tpu.memory_space<vmem_shared>> -> memref<1x32x1024xf32, #tpu.memory_space<vmem_shared>>
    %dma_start3A_466 = tpu.memref_squeeze %dma_start3A_465 : memref<1x32x1024xf32, #tpu.memory_space<vmem_shared>> -> memref<32x1024xf32, #tpu.memory_space<vmem_shared>>
    tpu.enqueue_dma source(%dma_start3A_466 : memref<32x1024xf32, #tpu.memory_space<vmem_shared>>) target(%dma_start3A_457 : memref<32x1024xf32, #tpu.memory_space<hbm>>) target_semaphore(%arg9 : memref<!tpu.dma_semaphore, #tpu.memory_space<semaphore_mem>>)
    %dma_wait3A_467 = arith.constant 0 : i32
    %dma_wait3A_468 = arith.constant 0 : i32
    %dma_wait3A_469 = tpu.memref_slice %arg3[%add3A_404, %dma_wait3A_468] : memref<16384x1024xf32, #tpu.memory_space<hbm>> -> memref<32x1024xf32, #tpu.memory_space<hbm>>
    %dma_wait3A_470 = arith.constant 0 : i32
    %dma_wait3A_471 = arith.constant 0 : i32
    %dma_wait3A_472 = arith.constant 0 : i32
    %dma_wait3A_473 = tpu.memref_slice %arg4[%arg1, %dma_wait3A_470, %dma_wait3A_471, %dma_wait3A_472] : memref<16x3x32x1024xf32, #tpu.memory_space<vmem_shared>> -> memref<1x3x32x1024xf32, #tpu.memory_space<vmem_shared>>
    %dma_wait3A_474 = tpu.memref_squeeze %dma_wait3A_473 : memref<1x3x32x1024xf32, #tpu.memory_space<vmem_shared>> -> memref<3x32x1024xf32, #tpu.memory_space<vmem_shared>>
    %dma_wait3A_475 = arith.constant 0 : i32
    %dma_wait3A_476 = arith.constant 0 : i32
    %dma_wait3A_477 = tpu.memref_slice %dma_wait3A_474[%dma_wait3A_467, %dma_wait3A_475, %dma_wait3A_476] : memref<3x32x1024xf32, #tpu.memory_space<vmem_shared>> -> memref<1x32x1024xf32, #tpu.memory_space<vmem_shared>>
    %dma_wait3A_478 = tpu.memref_squeeze %dma_wait3A_477 : memref<1x32x1024xf32, #tpu.memory_space<vmem_shared>> -> memref<32x1024xf32, #tpu.memory_space<vmem_shared>>
    tpu.wait_dma2 semaphore(%arg8 : memref<!tpu.dma_semaphore, #tpu.memory_space<semaphore_mem>>) src(%dma_wait3A_478 : memref<32x1024xf32, #tpu.memory_space<vmem_shared>>) dst(%dma_wait3A_469 : memref<32x1024xf32, #tpu.memory_space<hbm>>)
    %add3A_479 = arith.constant 288 : i32
    %add3A_480 = arith.addi %add3A_75, %add3A_479 : i32
    %dma_start3A_481 = arith.constant 0 : i32
    %dma_start3A_482 = arith.constant 0 : i32
    %dma_start3A_483 = arith.constant 0 : i32
    %dma_start3A_484 = arith.constant 0 : i32
    %dma_start3A_485 = tpu.memref_slice %arg4[%arg1, %dma_start3A_482, %dma_start3A_483, %dma_start3A_484] : memref<16x3x32x1024xf32, #tpu.memory_space<vmem_shared>> -> memref<1x3x32x1024xf32, #tpu.memory_space<vmem_shared>>
    %dma_start3A_486 = tpu.memref_squeeze %dma_start3A_485 : memref<1x3x32x1024xf32, #tpu.memory_space<vmem_shared>> -> memref<3x32x1024xf32, #tpu.memory_space<vmem_shared>>
    %dma_start3A_487 = arith.constant 0 : i32
    %dma_start3A_488 = arith.constant 0 : i32
    %dma_start3A_489 = tpu.memref_slice %dma_start3A_486[%dma_start3A_481, %dma_start3A_487, %dma_start3A_488] : memref<3x32x1024xf32, #tpu.memory_space<vmem_shared>> -> memref<1x32x1024xf32, #tpu.memory_space<vmem_shared>>
    %dma_start3A_490 = tpu.memref_squeeze %dma_start3A_489 : memref<1x32x1024xf32, #tpu.memory_space<vmem_shared>> -> memref<32x1024xf32, #tpu.memory_space<vmem_shared>>
    %dma_start3A_491 = tpu.memref_slice %arg2[%add3A_480, %mul3A_77] : memref<8192x2048xf32, #tpu.memory_space<hbm>> -> memref<32x1024xf32, #tpu.memory_space<hbm>>
    tpu.enqueue_dma source(%dma_start3A_491 : memref<32x1024xf32, #tpu.memory_space<hbm>>) target(%dma_start3A_490 : memref<32x1024xf32, #tpu.memory_space<vmem_shared>>) target_semaphore(%arg5 : memref<!tpu.dma_semaphore, #tpu.memory_space<semaphore_mem>>)
    %dma_wait3A_492 = arith.constant 2 : i32
    %dma_wait3A_493 = arith.constant 0 : i32
    %dma_wait3A_494 = arith.constant 0 : i32
    %dma_wait3A_495 = arith.constant 0 : i32
    %dma_wait3A_496 = tpu.memref_slice %arg4[%arg1, %dma_wait3A_493, %dma_wait3A_494, %dma_wait3A_495] : memref<16x3x32x1024xf32, #tpu.memory_space<vmem_shared>> -> memref<1x3x32x1024xf32, #tpu.memory_space<vmem_shared>>
    %dma_wait3A_497 = tpu.memref_squeeze %dma_wait3A_496 : memref<1x3x32x1024xf32, #tpu.memory_space<vmem_shared>> -> memref<3x32x1024xf32, #tpu.memory_space<vmem_shared>>
    %dma_wait3A_498 = arith.constant 0 : i32
    %dma_wait3A_499 = arith.constant 0 : i32
    %dma_wait3A_500 = tpu.memref_slice %dma_wait3A_497[%dma_wait3A_492, %dma_wait3A_498, %dma_wait3A_499] : memref<3x32x1024xf32, #tpu.memory_space<vmem_shared>> -> memref<1x32x1024xf32, #tpu.memory_space<vmem_shared>>
    %dma_wait3A_501 = tpu.memref_squeeze %dma_wait3A_500 : memref<1x32x1024xf32, #tpu.memory_space<vmem_shared>> -> memref<32x1024xf32, #tpu.memory_space<vmem_shared>>
    %dma_wait3A_502 = tpu.memref_slice %arg2[%add3A_430, %mul3A_77] : memref<8192x2048xf32, #tpu.memory_space<hbm>> -> memref<32x1024xf32, #tpu.memory_space<hbm>>
    tpu.wait_dma2 semaphore(%arg7 : memref<!tpu.dma_semaphore, #tpu.memory_space<semaphore_mem>>) src(%dma_wait3A_502 : memref<32x1024xf32, #tpu.memory_space<hbm>>) dst(%dma_wait3A_501 : memref<32x1024xf32, #tpu.memory_space<vmem_shared>>)
    %add3A_503 = arith.constant 256 : i32
    %add3A_504 = arith.addi %mul3A_79, %add3A_503 : i32
    %dma_start3A_505 = arith.constant 2 : i32
    %dma_start3A_506 = arith.constant 0 : i32
    %dma_start3A_507 = tpu.memref_slice %arg3[%add3A_504, %dma_start3A_506] : memref<16384x1024xf32, #tpu.memory_space<hbm>> -> memref<32x1024xf32, #tpu.memory_space<hbm>>
    %dma_start3A_508 = arith.constant 0 : i32
    %dma_start3A_509 = arith.constant 0 : i32
    %dma_start3A_510 = arith.constant 0 : i32
    %dma_start3A_511 = tpu.memref_slice %arg4[%arg1, %dma_start3A_508, %dma_start3A_509, %dma_start3A_510] : memref<16x3x32x1024xf32, #tpu.memory_space<vmem_shared>> -> memref<1x3x32x1024xf32, #tpu.memory_space<vmem_shared>>
    %dma_start3A_512 = tpu.memref_squeeze %dma_start3A_511 : memref<1x3x32x1024xf32, #tpu.memory_space<vmem_shared>> -> memref<3x32x1024xf32, #tpu.memory_space<vmem_shared>>
    %dma_start3A_513 = arith.constant 0 : i32
    %dma_start3A_514 = arith.constant 0 : i32
    %dma_start3A_515 = tpu.memref_slice %dma_start3A_512[%dma_start3A_505, %dma_start3A_513, %dma_start3A_514] : memref<3x32x1024xf32, #tpu.memory_space<vmem_shared>> -> memref<1x32x1024xf32, #tpu.memory_space<vmem_shared>>
    %dma_start3A_516 = tpu.memref_squeeze %dma_start3A_515 : memref<1x32x1024xf32, #tpu.memory_space<vmem_shared>> -> memref<32x1024xf32, #tpu.memory_space<vmem_shared>>
    tpu.enqueue_dma source(%dma_start3A_516 : memref<32x1024xf32, #tpu.memory_space<vmem_shared>>) target(%dma_start3A_507 : memref<32x1024xf32, #tpu.memory_space<hbm>>) target_semaphore(%arg10 : memref<!tpu.dma_semaphore, #tpu.memory_space<semaphore_mem>>)
    %dma_wait3A_517 = arith.constant 1 : i32
    %dma_wait3A_518 = arith.constant 0 : i32
    %dma_wait3A_519 = tpu.memref_slice %arg3[%add3A_454, %dma_wait3A_518] : memref<16384x1024xf32, #tpu.memory_space<hbm>> -> memref<32x1024xf32, #tpu.memory_space<hbm>>
    %dma_wait3A_520 = arith.constant 0 : i32
    %dma_wait3A_521 = arith.constant 0 : i32
    %dma_wait3A_522 = arith.constant 0 : i32
    %dma_wait3A_523 = tpu.memref_slice %arg4[%arg1, %dma_wait3A_520, %dma_wait3A_521, %dma_wait3A_522] : memref<16x3x32x1024xf32, #tpu.memory_space<vmem_shared>> -> memref<1x3x32x1024xf32, #tpu.memory_space<vmem_shared>>
    %dma_wait3A_524 = tpu.memref_squeeze %dma_wait3A_523 : memref<1x3x32x1024xf32, #tpu.memory_space<vmem_shared>> -> memref<3x32x1024xf32, #tpu.memory_space<vmem_shared>>
    %dma_wait3A_525 = arith.constant 0 : i32
    %dma_wait3A_526 = arith.constant 0 : i32
    %dma_wait3A_527 = tpu.memref_slice %dma_wait3A_524[%dma_wait3A_517, %dma_wait3A_525, %dma_wait3A_526] : memref<3x32x1024xf32, #tpu.memory_space<vmem_shared>> -> memref<1x32x1024xf32, #tpu.memory_space<vmem_shared>>
    %dma_wait3A_528 = tpu.memref_squeeze %dma_wait3A_527 : memref<1x32x1024xf32, #tpu.memory_space<vmem_shared>> -> memref<32x1024xf32, #tpu.memory_space<vmem_shared>>
    tpu.wait_dma2 semaphore(%arg9 : memref<!tpu.dma_semaphore, #tpu.memory_space<semaphore_mem>>) src(%dma_wait3A_528 : memref<32x1024xf32, #tpu.memory_space<vmem_shared>>) dst(%dma_wait3A_519 : memref<32x1024xf32, #tpu.memory_space<hbm>>)
    %add3A_529 = arith.constant 320 : i32
    %add3A_530 = arith.addi %add3A_75, %add3A_529 : i32
    %dma_start3A_531 = arith.constant 1 : i32
    %dma_start3A_532 = arith.constant 0 : i32
    %dma_start3A_533 = arith.constant 0 : i32
    %dma_start3A_534 = arith.constant 0 : i32
    %dma_start3A_535 = tpu.memref_slice %arg4[%arg1, %dma_start3A_532, %dma_start3A_533, %dma_start3A_534] : memref<16x3x32x1024xf32, #tpu.memory_space<vmem_shared>> -> memref<1x3x32x1024xf32, #tpu.memory_space<vmem_shared>>
    %dma_start3A_536 = tpu.memref_squeeze %dma_start3A_535 : memref<1x3x32x1024xf32, #tpu.memory_space<vmem_shared>> -> memref<3x32x1024xf32, #tpu.memory_space<vmem_shared>>
    %dma_start3A_537 = arith.constant 0 : i32
    %dma_start3A_538 = arith.constant 0 : i32
    %dma_start3A_539 = tpu.memref_slice %dma_start3A_536[%dma_start3A_531, %dma_start3A_537, %dma_start3A_538] : memref<3x32x1024xf32, #tpu.memory_space<vmem_shared>> -> memref<1x32x1024xf32, #tpu.memory_space<vmem_shared>>
    %dma_start3A_540 = tpu.memref_squeeze %dma_start3A_539 : memref<1x32x1024xf32, #tpu.memory_space<vmem_shared>> -> memref<32x1024xf32, #tpu.memory_space<vmem_shared>>
    %dma_start3A_541 = tpu.memref_slice %arg2[%add3A_530, %mul3A_77] : memref<8192x2048xf32, #tpu.memory_space<hbm>> -> memref<32x1024xf32, #tpu.memory_space<hbm>>
    tpu.enqueue_dma source(%dma_start3A_541 : memref<32x1024xf32, #tpu.memory_space<hbm>>) target(%dma_start3A_540 : memref<32x1024xf32, #tpu.memory_space<vmem_shared>>) target_semaphore(%arg6 : memref<!tpu.dma_semaphore, #tpu.memory_space<semaphore_mem>>)
    %dma_wait3A_542 = arith.constant 0 : i32
    %dma_wait3A_543 = arith.constant 0 : i32
    %dma_wait3A_544 = arith.constant 0 : i32
    %dma_wait3A_545 = arith.constant 0 : i32
    %dma_wait3A_546 = tpu.memref_slice %arg4[%arg1, %dma_wait3A_543, %dma_wait3A_544, %dma_wait3A_545] : memref<16x3x32x1024xf32, #tpu.memory_space<vmem_shared>> -> memref<1x3x32x1024xf32, #tpu.memory_space<vmem_shared>>
    %dma_wait3A_547 = tpu.memref_squeeze %dma_wait3A_546 : memref<1x3x32x1024xf32, #tpu.memory_space<vmem_shared>> -> memref<3x32x1024xf32, #tpu.memory_space<vmem_shared>>
    %dma_wait3A_548 = arith.constant 0 : i32
    %dma_wait3A_549 = arith.constant 0 : i32
    %dma_wait3A_550 = tpu.memref_slice %dma_wait3A_547[%dma_wait3A_542, %dma_wait3A_548, %dma_wait3A_549] : memref<3x32x1024xf32, #tpu.memory_space<vmem_shared>> -> memref<1x32x1024xf32, #tpu.memory_space<vmem_shared>>
    %dma_wait3A_551 = tpu.memref_squeeze %dma_wait3A_550 : memref<1x32x1024xf32, #tpu.memory_space<vmem_shared>> -> memref<32x1024xf32, #tpu.memory_space<vmem_shared>>
    %dma_wait3A_552 = tpu.memref_slice %arg2[%add3A_480, %mul3A_77] : memref<8192x2048xf32, #tpu.memory_space<hbm>> -> memref<32x1024xf32, #tpu.memory_space<hbm>>
    tpu.wait_dma2 semaphore(%arg5 : memref<!tpu.dma_semaphore, #tpu.memory_space<semaphore_mem>>) src(%dma_wait3A_552 : memref<32x1024xf32, #tpu.memory_space<hbm>>) dst(%dma_wait3A_551 : memref<32x1024xf32, #tpu.memory_space<vmem_shared>>)
    %add3A_553 = arith.constant 288 : i32
    %add3A_554 = arith.addi %mul3A_79, %add3A_553 : i32
    %dma_start3A_555 = arith.constant 0 : i32
    %dma_start3A_556 = arith.constant 0 : i32
    %dma_start3A_557 = tpu.memref_slice %arg3[%add3A_554, %dma_start3A_556] : memref<16384x1024xf32, #tpu.memory_space<hbm>> -> memref<32x1024xf32, #tpu.memory_space<hbm>>
    %dma_start3A_558 = arith.constant 0 : i32
    %dma_start3A_559 = arith.constant 0 : i32
    %dma_start3A_560 = arith.constant 0 : i32
    %dma_start3A_561 = tpu.memref_slice %arg4[%arg1, %dma_start3A_558, %dma_start3A_559, %dma_start3A_560] : memref<16x3x32x1024xf32, #tpu.memory_space<vmem_shared>> -> memref<1x3x32x1024xf32, #tpu.memory_space<vmem_shared>>
    %dma_start3A_562 = tpu.memref_squeeze %dma_start3A_561 : memref<1x3x32x1024xf32, #tpu.memory_space<vmem_shared>> -> memref<3x32x1024xf32, #tpu.memory_space<vmem_shared>>
    %dma_start3A_563 = arith.constant 0 : i32
    %dma_start3A_564 = arith.constant 0 : i32
    %dma_start3A_565 = tpu.memref_slice %dma_start3A_562[%dma_start3A_555, %dma_start3A_563, %dma_start3A_564] : memref<3x32x1024xf32, #tpu.memory_space<vmem_shared>> -> memref<1x32x1024xf32, #tpu.memory_space<vmem_shared>>
    %dma_start3A_566 = tpu.memref_squeeze %dma_start3A_565 : memref<1x32x1024xf32, #tpu.memory_space<vmem_shared>> -> memref<32x1024xf32, #tpu.memory_space<vmem_shared>>
    tpu.enqueue_dma source(%dma_start3A_566 : memref<32x1024xf32, #tpu.memory_space<vmem_shared>>) target(%dma_start3A_557 : memref<32x1024xf32, #tpu.memory_space<hbm>>) target_semaphore(%arg8 : memref<!tpu.dma_semaphore, #tpu.memory_space<semaphore_mem>>)
    %dma_wait3A_567 = arith.constant 2 : i32
    %dma_wait3A_568 = arith.constant 0 : i32
    %dma_wait3A_569 = tpu.memref_slice %arg3[%add3A_504, %dma_wait3A_568] : memref<16384x1024xf32, #tpu.memory_space<hbm>> -> memref<32x1024xf32, #tpu.memory_space<hbm>>
    %dma_wait3A_570 = arith.constant 0 : i32
    %dma_wait3A_571 = arith.constant 0 : i32
    %dma_wait3A_572 = arith.constant 0 : i32
    %dma_wait3A_573 = tpu.memref_slice %arg4[%arg1, %dma_wait3A_570, %dma_wait3A_571, %dma_wait3A_572] : memref<16x3x32x1024xf32, #tpu.memory_space<vmem_shared>> -> memref<1x3x32x1024xf32, #tpu.memory_space<vmem_shared>>
    %dma_wait3A_574 = tpu.memref_squeeze %dma_wait3A_573 : memref<1x3x32x1024xf32, #tpu.memory_space<vmem_shared>> -> memref<3x32x1024xf32, #tpu.memory_space<vmem_shared>>
    %dma_wait3A_575 = arith.constant 0 : i32
    %dma_wait3A_576 = arith.constant 0 : i32
    %dma_wait3A_577 = tpu.memref_slice %dma_wait3A_574[%dma_wait3A_567, %dma_wait3A_575, %dma_wait3A_576] : memref<3x32x1024xf32, #tpu.memory_space<vmem_shared>> -> memref<1x32x1024xf32, #tpu.memory_space<vmem_shared>>
    %dma_wait3A_578 = tpu.memref_squeeze %dma_wait3A_577 : memref<1x32x1024xf32, #tpu.memory_space<vmem_shared>> -> memref<32x1024xf32, #tpu.memory_space<vmem_shared>>
    tpu.wait_dma2 semaphore(%arg10 : memref<!tpu.dma_semaphore, #tpu.memory_space<semaphore_mem>>) src(%dma_wait3A_578 : memref<32x1024xf32, #tpu.memory_space<vmem_shared>>) dst(%dma_wait3A_569 : memref<32x1024xf32, #tpu.memory_space<hbm>>)
    %add3A_579 = arith.constant 352 : i32
    %add3A_580 = arith.addi %add3A_75, %add3A_579 : i32
    %dma_start3A_581 = arith.constant 2 : i32
    %dma_start3A_582 = arith.constant 0 : i32
    %dma_start3A_583 = arith.constant 0 : i32
    %dma_start3A_584 = arith.constant 0 : i32
    %dma_start3A_585 = tpu.memref_slice %arg4[%arg1, %dma_start3A_582, %dma_start3A_583, %dma_start3A_584] : memref<16x3x32x1024xf32, #tpu.memory_space<vmem_shared>> -> memref<1x3x32x1024xf32, #tpu.memory_space<vmem_shared>>
    %dma_start3A_586 = tpu.memref_squeeze %dma_start3A_585 : memref<1x3x32x1024xf32, #tpu.memory_space<vmem_shared>> -> memref<3x32x1024xf32, #tpu.memory_space<vmem_shared>>
    %dma_start3A_587 = arith.constant 0 : i32
    %dma_start3A_588 = arith.constant 0 : i32
    %dma_start3A_589 = tpu.memref_slice %dma_start3A_586[%dma_start3A_581, %dma_start3A_587, %dma_start3A_588] : memref<3x32x1024xf32, #tpu.memory_space<vmem_shared>> -> memref<1x32x1024xf32, #tpu.memory_space<vmem_shared>>
    %dma_start3A_590 = tpu.memref_squeeze %dma_start3A_589 : memref<1x32x1024xf32, #tpu.memory_space<vmem_shared>> -> memref<32x1024xf32, #tpu.memory_space<vmem_shared>>
    %dma_start3A_591 = tpu.memref_slice %arg2[%add3A_580, %mul3A_77] : memref<8192x2048xf32, #tpu.memory_space<hbm>> -> memref<32x1024xf32, #tpu.memory_space<hbm>>
    tpu.enqueue_dma source(%dma_start3A_591 : memref<32x1024xf32, #tpu.memory_space<hbm>>) target(%dma_start3A_590 : memref<32x1024xf32, #tpu.memory_space<vmem_shared>>) target_semaphore(%arg7 : memref<!tpu.dma_semaphore, #tpu.memory_space<semaphore_mem>>)
    %dma_wait3A_592 = arith.constant 1 : i32
    %dma_wait3A_593 = arith.constant 0 : i32
    %dma_wait3A_594 = arith.constant 0 : i32
    %dma_wait3A_595 = arith.constant 0 : i32
    %dma_wait3A_596 = tpu.memref_slice %arg4[%arg1, %dma_wait3A_593, %dma_wait3A_594, %dma_wait3A_595] : memref<16x3x32x1024xf32, #tpu.memory_space<vmem_shared>> -> memref<1x3x32x1024xf32, #tpu.memory_space<vmem_shared>>
    %dma_wait3A_597 = tpu.memref_squeeze %dma_wait3A_596 : memref<1x3x32x1024xf32, #tpu.memory_space<vmem_shared>> -> memref<3x32x1024xf32, #tpu.memory_space<vmem_shared>>
    %dma_wait3A_598 = arith.constant 0 : i32
    %dma_wait3A_599 = arith.constant 0 : i32
    %dma_wait3A_600 = tpu.memref_slice %dma_wait3A_597[%dma_wait3A_592, %dma_wait3A_598, %dma_wait3A_599] : memref<3x32x1024xf32, #tpu.memory_space<vmem_shared>> -> memref<1x32x1024xf32, #tpu.memory_space<vmem_shared>>
    %dma_wait3A_601 = tpu.memref_squeeze %dma_wait3A_600 : memref<1x32x1024xf32, #tpu.memory_space<vmem_shared>> -> memref<32x1024xf32, #tpu.memory_space<vmem_shared>>
    %dma_wait3A_602 = tpu.memref_slice %arg2[%add3A_530, %mul3A_77] : memref<8192x2048xf32, #tpu.memory_space<hbm>> -> memref<32x1024xf32, #tpu.memory_space<hbm>>
    tpu.wait_dma2 semaphore(%arg6 : memref<!tpu.dma_semaphore, #tpu.memory_space<semaphore_mem>>) src(%dma_wait3A_602 : memref<32x1024xf32, #tpu.memory_space<hbm>>) dst(%dma_wait3A_601 : memref<32x1024xf32, #tpu.memory_space<vmem_shared>>)
    %add3A_603 = arith.constant 320 : i32
    %add3A_604 = arith.addi %mul3A_79, %add3A_603 : i32
    %dma_start3A_605 = arith.constant 1 : i32
    %dma_start3A_606 = arith.constant 0 : i32
    %dma_start3A_607 = tpu.memref_slice %arg3[%add3A_604, %dma_start3A_606] : memref<16384x1024xf32, #tpu.memory_space<hbm>> -> memref<32x1024xf32, #tpu.memory_space<hbm>>
    %dma_start3A_608 = arith.constant 0 : i32
    %dma_start3A_609 = arith.constant 0 : i32
    %dma_start3A_610 = arith.constant 0 : i32
    %dma_start3A_611 = tpu.memref_slice %arg4[%arg1, %dma_start3A_608, %dma_start3A_609, %dma_start3A_610] : memref<16x3x32x1024xf32, #tpu.memory_space<vmem_shared>> -> memref<1x3x32x1024xf32, #tpu.memory_space<vmem_shared>>
    %dma_start3A_612 = tpu.memref_squeeze %dma_start3A_611 : memref<1x3x32x1024xf32, #tpu.memory_space<vmem_shared>> -> memref<3x32x1024xf32, #tpu.memory_space<vmem_shared>>
    %dma_start3A_613 = arith.constant 0 : i32
    %dma_start3A_614 = arith.constant 0 : i32
    %dma_start3A_615 = tpu.memref_slice %dma_start3A_612[%dma_start3A_605, %dma_start3A_613, %dma_start3A_614] : memref<3x32x1024xf32, #tpu.memory_space<vmem_shared>> -> memref<1x32x1024xf32, #tpu.memory_space<vmem_shared>>
    %dma_start3A_616 = tpu.memref_squeeze %dma_start3A_615 : memref<1x32x1024xf32, #tpu.memory_space<vmem_shared>> -> memref<32x1024xf32, #tpu.memory_space<vmem_shared>>
    tpu.enqueue_dma source(%dma_start3A_616 : memref<32x1024xf32, #tpu.memory_space<vmem_shared>>) target(%dma_start3A_607 : memref<32x1024xf32, #tpu.memory_space<hbm>>) target_semaphore(%arg9 : memref<!tpu.dma_semaphore, #tpu.memory_space<semaphore_mem>>)
    %dma_wait3A_617 = arith.constant 0 : i32
    %dma_wait3A_618 = arith.constant 0 : i32
    %dma_wait3A_619 = tpu.memref_slice %arg3[%add3A_554, %dma_wait3A_618] : memref<16384x1024xf32, #tpu.memory_space<hbm>> -> memref<32x1024xf32, #tpu.memory_space<hbm>>
    %dma_wait3A_620 = arith.constant 0 : i32
    %dma_wait3A_621 = arith.constant 0 : i32
    %dma_wait3A_622 = arith.constant 0 : i32
    %dma_wait3A_623 = tpu.memref_slice %arg4[%arg1, %dma_wait3A_620, %dma_wait3A_621, %dma_wait3A_622] : memref<16x3x32x1024xf32, #tpu.memory_space<vmem_shared>> -> memref<1x3x32x1024xf32, #tpu.memory_space<vmem_shared>>
    %dma_wait3A_624 = tpu.memref_squeeze %dma_wait3A_623 : memref<1x3x32x1024xf32, #tpu.memory_space<vmem_shared>> -> memref<3x32x1024xf32, #tpu.memory_space<vmem_shared>>
    %dma_wait3A_625 = arith.constant 0 : i32
    %dma_wait3A_626 = arith.constant 0 : i32
    %dma_wait3A_627 = tpu.memref_slice %dma_wait3A_624[%dma_wait3A_617, %dma_wait3A_625, %dma_wait3A_626] : memref<3x32x1024xf32, #tpu.memory_space<vmem_shared>> -> memref<1x32x1024xf32, #tpu.memory_space<vmem_shared>>
    %dma_wait3A_628 = tpu.memref_squeeze %dma_wait3A_627 : memref<1x32x1024xf32, #tpu.memory_space<vmem_shared>> -> memref<32x1024xf32, #tpu.memory_space<vmem_shared>>
    tpu.wait_dma2 semaphore(%arg8 : memref<!tpu.dma_semaphore, #tpu.memory_space<semaphore_mem>>) src(%dma_wait3A_628 : memref<32x1024xf32, #tpu.memory_space<vmem_shared>>) dst(%dma_wait3A_619 : memref<32x1024xf32, #tpu.memory_space<hbm>>)
    %add3A_629 = arith.constant 384 : i32
    %add3A_630 = arith.addi %add3A_75, %add3A_629 : i32
    %dma_start3A_631 = arith.constant 0 : i32
    %dma_start3A_632 = arith.constant 0 : i32
    %dma_start3A_633 = arith.constant 0 : i32
    %dma_start3A_634 = arith.constant 0 : i32
    %dma_start3A_635 = tpu.memref_slice %arg4[%arg1, %dma_start3A_632, %dma_start3A_633, %dma_start3A_634] : memref<16x3x32x1024xf32, #tpu.memory_space<vmem_shared>> -> memref<1x3x32x1024xf32, #tpu.memory_space<vmem_shared>>
    %dma_start3A_636 = tpu.memref_squeeze %dma_start3A_635 : memref<1x3x32x1024xf32, #tpu.memory_space<vmem_shared>> -> memref<3x32x1024xf32, #tpu.memory_space<vmem_shared>>
    %dma_start3A_637 = arith.constant 0 : i32
    %dma_start3A_638 = arith.constant 0 : i32
    %dma_start3A_639 = tpu.memref_slice %dma_start3A_636[%dma_start3A_631, %dma_start3A_637, %dma_start3A_638] : memref<3x32x1024xf32, #tpu.memory_space<vmem_shared>> -> memref<1x32x1024xf32, #tpu.memory_space<vmem_shared>>
    %dma_start3A_640 = tpu.memref_squeeze %dma_start3A_639 : memref<1x32x1024xf32, #tpu.memory_space<vmem_shared>> -> memref<32x1024xf32, #tpu.memory_space<vmem_shared>>
    %dma_start3A_641 = tpu.memref_slice %arg2[%add3A_630, %mul3A_77] : memref<8192x2048xf32, #tpu.memory_space<hbm>> -> memref<32x1024xf32, #tpu.memory_space<hbm>>
    tpu.enqueue_dma source(%dma_start3A_641 : memref<32x1024xf32, #tpu.memory_space<hbm>>) target(%dma_start3A_640 : memref<32x1024xf32, #tpu.memory_space<vmem_shared>>) target_semaphore(%arg5 : memref<!tpu.dma_semaphore, #tpu.memory_space<semaphore_mem>>)
    %dma_wait3A_642 = arith.constant 2 : i32
    %dma_wait3A_643 = arith.constant 0 : i32
    %dma_wait3A_644 = arith.constant 0 : i32
    %dma_wait3A_645 = arith.constant 0 : i32
    %dma_wait3A_646 = tpu.memref_slice %arg4[%arg1, %dma_wait3A_643, %dma_wait3A_644, %dma_wait3A_645] : memref<16x3x32x1024xf32, #tpu.memory_space<vmem_shared>> -> memref<1x3x32x1024xf32, #tpu.memory_space<vmem_shared>>
    %dma_wait3A_647 = tpu.memref_squeeze %dma_wait3A_646 : memref<1x3x32x1024xf32, #tpu.memory_space<vmem_shared>> -> memref<3x32x1024xf32, #tpu.memory_space<vmem_shared>>
    %dma_wait3A_648 = arith.constant 0 : i32
    %dma_wait3A_649 = arith.constant 0 : i32
    %dma_wait3A_650 = tpu.memref_slice %dma_wait3A_647[%dma_wait3A_642, %dma_wait3A_648, %dma_wait3A_649] : memref<3x32x1024xf32, #tpu.memory_space<vmem_shared>> -> memref<1x32x1024xf32, #tpu.memory_space<vmem_shared>>
    %dma_wait3A_651 = tpu.memref_squeeze %dma_wait3A_650 : memref<1x32x1024xf32, #tpu.memory_space<vmem_shared>> -> memref<32x1024xf32, #tpu.memory_space<vmem_shared>>
    %dma_wait3A_652 = tpu.memref_slice %arg2[%add3A_580, %mul3A_77] : memref<8192x2048xf32, #tpu.memory_space<hbm>> -> memref<32x1024xf32, #tpu.memory_space<hbm>>
    tpu.wait_dma2 semaphore(%arg7 : memref<!tpu.dma_semaphore, #tpu.memory_space<semaphore_mem>>) src(%dma_wait3A_652 : memref<32x1024xf32, #tpu.memory_space<hbm>>) dst(%dma_wait3A_651 : memref<32x1024xf32, #tpu.memory_space<vmem_shared>>)
    %add3A_653 = arith.constant 352 : i32
    %add3A_654 = arith.addi %mul3A_79, %add3A_653 : i32
    %dma_start3A_655 = arith.constant 2 : i32
    %dma_start3A_656 = arith.constant 0 : i32
    %dma_start3A_657 = tpu.memref_slice %arg3[%add3A_654, %dma_start3A_656] : memref<16384x1024xf32, #tpu.memory_space<hbm>> -> memref<32x1024xf32, #tpu.memory_space<hbm>>
    %dma_start3A_658 = arith.constant 0 : i32
    %dma_start3A_659 = arith.constant 0 : i32
    %dma_start3A_660 = arith.constant 0 : i32
    %dma_start3A_661 = tpu.memref_slice %arg4[%arg1, %dma_start3A_658, %dma_start3A_659, %dma_start3A_660] : memref<16x3x32x1024xf32, #tpu.memory_space<vmem_shared>> -> memref<1x3x32x1024xf32, #tpu.memory_space<vmem_shared>>
    %dma_start3A_662 = tpu.memref_squeeze %dma_start3A_661 : memref<1x3x32x1024xf32, #tpu.memory_space<vmem_shared>> -> memref<3x32x1024xf32, #tpu.memory_space<vmem_shared>>
    %dma_start3A_663 = arith.constant 0 : i32
    %dma_start3A_664 = arith.constant 0 : i32
    %dma_start3A_665 = tpu.memref_slice %dma_start3A_662[%dma_start3A_655, %dma_start3A_663, %dma_start3A_664] : memref<3x32x1024xf32, #tpu.memory_space<vmem_shared>> -> memref<1x32x1024xf32, #tpu.memory_space<vmem_shared>>
    %dma_start3A_666 = tpu.memref_squeeze %dma_start3A_665 : memref<1x32x1024xf32, #tpu.memory_space<vmem_shared>> -> memref<32x1024xf32, #tpu.memory_space<vmem_shared>>
    tpu.enqueue_dma source(%dma_start3A_666 : memref<32x1024xf32, #tpu.memory_space<vmem_shared>>) target(%dma_start3A_657 : memref<32x1024xf32, #tpu.memory_space<hbm>>) target_semaphore(%arg10 : memref<!tpu.dma_semaphore, #tpu.memory_space<semaphore_mem>>)
    %dma_wait3A_667 = arith.constant 1 : i32
    %dma_wait3A_668 = arith.constant 0 : i32
    %dma_wait3A_669 = tpu.memref_slice %arg3[%add3A_604, %dma_wait3A_668] : memref<16384x1024xf32, #tpu.memory_space<hbm>> -> memref<32x1024xf32, #tpu.memory_space<hbm>>
    %dma_wait3A_670 = arith.constant 0 : i32
    %dma_wait3A_671 = arith.constant 0 : i32
    %dma_wait3A_672 = arith.constant 0 : i32
    %dma_wait3A_673 = tpu.memref_slice %arg4[%arg1, %dma_wait3A_670, %dma_wait3A_671, %dma_wait3A_672] : memref<16x3x32x1024xf32, #tpu.memory_space<vmem_shared>> -> memref<1x3x32x1024xf32, #tpu.memory_space<vmem_shared>>
    %dma_wait3A_674 = tpu.memref_squeeze %dma_wait3A_673 : memref<1x3x32x1024xf32, #tpu.memory_space<vmem_shared>> -> memref<3x32x1024xf32, #tpu.memory_space<vmem_shared>>
    %dma_wait3A_675 = arith.constant 0 : i32
    %dma_wait3A_676 = arith.constant 0 : i32
    %dma_wait3A_677 = tpu.memref_slice %dma_wait3A_674[%dma_wait3A_667, %dma_wait3A_675, %dma_wait3A_676] : memref<3x32x1024xf32, #tpu.memory_space<vmem_shared>> -> memref<1x32x1024xf32, #tpu.memory_space<vmem_shared>>
    %dma_wait3A_678 = tpu.memref_squeeze %dma_wait3A_677 : memref<1x32x1024xf32, #tpu.memory_space<vmem_shared>> -> memref<32x1024xf32, #tpu.memory_space<vmem_shared>>
    tpu.wait_dma2 semaphore(%arg9 : memref<!tpu.dma_semaphore, #tpu.memory_space<semaphore_mem>>) src(%dma_wait3A_678 : memref<32x1024xf32, #tpu.memory_space<vmem_shared>>) dst(%dma_wait3A_669 : memref<32x1024xf32, #tpu.memory_space<hbm>>)
    %add3A_679 = arith.constant 416 : i32
    %add3A_680 = arith.addi %add3A_75, %add3A_679 : i32
    %dma_start3A_681 = arith.constant 1 : i32
    %dma_start3A_682 = arith.constant 0 : i32
    %dma_start3A_683 = arith.constant 0 : i32
    %dma_start3A_684 = arith.constant 0 : i32
    %dma_start3A_685 = tpu.memref_slice %arg4[%arg1, %dma_start3A_682, %dma_start3A_683, %dma_start3A_684] : memref<16x3x32x1024xf32, #tpu.memory_space<vmem_shared>> -> memref<1x3x32x1024xf32, #tpu.memory_space<vmem_shared>>
    %dma_start3A_686 = tpu.memref_squeeze %dma_start3A_685 : memref<1x3x32x1024xf32, #tpu.memory_space<vmem_shared>> -> memref<3x32x1024xf32, #tpu.memory_space<vmem_shared>>
    %dma_start3A_687 = arith.constant 0 : i32
    %dma_start3A_688 = arith.constant 0 : i32
    %dma_start3A_689 = tpu.memref_slice %dma_start3A_686[%dma_start3A_681, %dma_start3A_687, %dma_start3A_688] : memref<3x32x1024xf32, #tpu.memory_space<vmem_shared>> -> memref<1x32x1024xf32, #tpu.memory_space<vmem_shared>>
    %dma_start3A_690 = tpu.memref_squeeze %dma_start3A_689 : memref<1x32x1024xf32, #tpu.memory_space<vmem_shared>> -> memref<32x1024xf32, #tpu.memory_space<vmem_shared>>
    %dma_start3A_691 = tpu.memref_slice %arg2[%add3A_680, %mul3A_77] : memref<8192x2048xf32, #tpu.memory_space<hbm>> -> memref<32x1024xf32, #tpu.memory_space<hbm>>
    tpu.enqueue_dma source(%dma_start3A_691 : memref<32x1024xf32, #tpu.memory_space<hbm>>) target(%dma_start3A_690 : memref<32x1024xf32, #tpu.memory_space<vmem_shared>>) target_semaphore(%arg6 : memref<!tpu.dma_semaphore, #tpu.memory_space<semaphore_mem>>)
    %dma_wait3A_692 = arith.constant 0 : i32
    %dma_wait3A_693 = arith.constant 0 : i32
    %dma_wait3A_694 = arith.constant 0 : i32
    %dma_wait3A_695 = arith.constant 0 : i32
    %dma_wait3A_696 = tpu.memref_slice %arg4[%arg1, %dma_wait3A_693, %dma_wait3A_694, %dma_wait3A_695] : memref<16x3x32x1024xf32, #tpu.memory_space<vmem_shared>> -> memref<1x3x32x1024xf32, #tpu.memory_space<vmem_shared>>
    %dma_wait3A_697 = tpu.memref_squeeze %dma_wait3A_696 : memref<1x3x32x1024xf32, #tpu.memory_space<vmem_shared>> -> memref<3x32x1024xf32, #tpu.memory_space<vmem_shared>>
    %dma_wait3A_698 = arith.constant 0 : i32
    %dma_wait3A_699 = arith.constant 0 : i32
    %dma_wait3A_700 = tpu.memref_slice %dma_wait3A_697[%dma_wait3A_692, %dma_wait3A_698, %dma_wait3A_699] : memref<3x32x1024xf32, #tpu.memory_space<vmem_shared>> -> memref<1x32x1024xf32, #tpu.memory_space<vmem_shared>>
    %dma_wait3A_701 = tpu.memref_squeeze %dma_wait3A_700 : memref<1x32x1024xf32, #tpu.memory_space<vmem_shared>> -> memref<32x1024xf32, #tpu.memory_space<vmem_shared>>
    %dma_wait3A_702 = tpu.memref_slice %arg2[%add3A_630, %mul3A_77] : memref<8192x2048xf32, #tpu.memory_space<hbm>> -> memref<32x1024xf32, #tpu.memory_space<hbm>>
    tpu.wait_dma2 semaphore(%arg5 : memref<!tpu.dma_semaphore, #tpu.memory_space<semaphore_mem>>) src(%dma_wait3A_702 : memref<32x1024xf32, #tpu.memory_space<hbm>>) dst(%dma_wait3A_701 : memref<32x1024xf32, #tpu.memory_space<vmem_shared>>)
    %add3A_703 = arith.constant 384 : i32
    %add3A_704 = arith.addi %mul3A_79, %add3A_703 : i32
    %dma_start3A_705 = arith.constant 0 : i32
    %dma_start3A_706 = arith.constant 0 : i32
    %dma_start3A_707 = tpu.memref_slice %arg3[%add3A_704, %dma_start3A_706] : memref<16384x1024xf32, #tpu.memory_space<hbm>> -> memref<32x1024xf32, #tpu.memory_space<hbm>>
    %dma_start3A_708 = arith.constant 0 : i32
    %dma_start3A_709 = arith.constant 0 : i32
    %dma_start3A_710 = arith.constant 0 : i32
    %dma_start3A_711 = tpu.memref_slice %arg4[%arg1, %dma_start3A_708, %dma_start3A_709, %dma_start3A_710] : memref<16x3x32x1024xf32, #tpu.memory_space<vmem_shared>> -> memref<1x3x32x1024xf32, #tpu.memory_space<vmem_shared>>
    %dma_start3A_712 = tpu.memref_squeeze %dma_start3A_711 : memref<1x3x32x1024xf32, #tpu.memory_space<vmem_shared>> -> memref<3x32x1024xf32, #tpu.memory_space<vmem_shared>>
    %dma_start3A_713 = arith.constant 0 : i32
    %dma_start3A_714 = arith.constant 0 : i32
    %dma_start3A_715 = tpu.memref_slice %dma_start3A_712[%dma_start3A_705, %dma_start3A_713, %dma_start3A_714] : memref<3x32x1024xf32, #tpu.memory_space<vmem_shared>> -> memref<1x32x1024xf32, #tpu.memory_space<vmem_shared>>
    %dma_start3A_716 = tpu.memref_squeeze %dma_start3A_715 : memref<1x32x1024xf32, #tpu.memory_space<vmem_shared>> -> memref<32x1024xf32, #tpu.memory_space<vmem_shared>>
    tpu.enqueue_dma source(%dma_start3A_716 : memref<32x1024xf32, #tpu.memory_space<vmem_shared>>) target(%dma_start3A_707 : memref<32x1024xf32, #tpu.memory_space<hbm>>) target_semaphore(%arg8 : memref<!tpu.dma_semaphore, #tpu.memory_space<semaphore_mem>>)
    %dma_wait3A_717 = arith.constant 2 : i32
    %dma_wait3A_718 = arith.constant 0 : i32
    %dma_wait3A_719 = tpu.memref_slice %arg3[%add3A_654, %dma_wait3A_718] : memref<16384x1024xf32, #tpu.memory_space<hbm>> -> memref<32x1024xf32, #tpu.memory_space<hbm>>
    %dma_wait3A_720 = arith.constant 0 : i32
    %dma_wait3A_721 = arith.constant 0 : i32
    %dma_wait3A_722 = arith.constant 0 : i32
    %dma_wait3A_723 = tpu.memref_slice %arg4[%arg1, %dma_wait3A_720, %dma_wait3A_721, %dma_wait3A_722] : memref<16x3x32x1024xf32, #tpu.memory_space<vmem_shared>> -> memref<1x3x32x1024xf32, #tpu.memory_space<vmem_shared>>
    %dma_wait3A_724 = tpu.memref_squeeze %dma_wait3A_723 : memref<1x3x32x1024xf32, #tpu.memory_space<vmem_shared>> -> memref<3x32x1024xf32, #tpu.memory_space<vmem_shared>>
    %dma_wait3A_725 = arith.constant 0 : i32
    %dma_wait3A_726 = arith.constant 0 : i32
    %dma_wait3A_727 = tpu.memref_slice %dma_wait3A_724[%dma_wait3A_717, %dma_wait3A_725, %dma_wait3A_726] : memref<3x32x1024xf32, #tpu.memory_space<vmem_shared>> -> memref<1x32x1024xf32, #tpu.memory_space<vmem_shared>>
    %dma_wait3A_728 = tpu.memref_squeeze %dma_wait3A_727 : memref<1x32x1024xf32, #tpu.memory_space<vmem_shared>> -> memref<32x1024xf32, #tpu.memory_space<vmem_shared>>
    tpu.wait_dma2 semaphore(%arg10 : memref<!tpu.dma_semaphore, #tpu.memory_space<semaphore_mem>>) src(%dma_wait3A_728 : memref<32x1024xf32, #tpu.memory_space<vmem_shared>>) dst(%dma_wait3A_719 : memref<32x1024xf32, #tpu.memory_space<hbm>>)
    %add3A_729 = arith.constant 448 : i32
    %add3A_730 = arith.addi %add3A_75, %add3A_729 : i32
    %dma_start3A_731 = arith.constant 2 : i32
    %dma_start3A_732 = arith.constant 0 : i32
    %dma_start3A_733 = arith.constant 0 : i32
    %dma_start3A_734 = arith.constant 0 : i32
    %dma_start3A_735 = tpu.memref_slice %arg4[%arg1, %dma_start3A_732, %dma_start3A_733, %dma_start3A_734] : memref<16x3x32x1024xf32, #tpu.memory_space<vmem_shared>> -> memref<1x3x32x1024xf32, #tpu.memory_space<vmem_shared>>
    %dma_start3A_736 = tpu.memref_squeeze %dma_start3A_735 : memref<1x3x32x1024xf32, #tpu.memory_space<vmem_shared>> -> memref<3x32x1024xf32, #tpu.memory_space<vmem_shared>>
    %dma_start3A_737 = arith.constant 0 : i32
    %dma_start3A_738 = arith.constant 0 : i32
    %dma_start3A_739 = tpu.memref_slice %dma_start3A_736[%dma_start3A_731, %dma_start3A_737, %dma_start3A_738] : memref<3x32x1024xf32, #tpu.memory_space<vmem_shared>> -> memref<1x32x1024xf32, #tpu.memory_space<vmem_shared>>
    %dma_start3A_740 = tpu.memref_squeeze %dma_start3A_739 : memref<1x32x1024xf32, #tpu.memory_space<vmem_shared>> -> memref<32x1024xf32, #tpu.memory_space<vmem_shared>>
    %dma_start3A_741 = tpu.memref_slice %arg2[%add3A_730, %mul3A_77] : memref<8192x2048xf32, #tpu.memory_space<hbm>> -> memref<32x1024xf32, #tpu.memory_space<hbm>>
    tpu.enqueue_dma source(%dma_start3A_741 : memref<32x1024xf32, #tpu.memory_space<hbm>>) target(%dma_start3A_740 : memref<32x1024xf32, #tpu.memory_space<vmem_shared>>) target_semaphore(%arg7 : memref<!tpu.dma_semaphore, #tpu.memory_space<semaphore_mem>>)
    %dma_wait3A_742 = arith.constant 1 : i32
    %dma_wait3A_743 = arith.constant 0 : i32
    %dma_wait3A_744 = arith.constant 0 : i32
    %dma_wait3A_745 = arith.constant 0 : i32
    %dma_wait3A_746 = tpu.memref_slice %arg4[%arg1, %dma_wait3A_743, %dma_wait3A_744, %dma_wait3A_745] : memref<16x3x32x1024xf32, #tpu.memory_space<vmem_shared>> -> memref<1x3x32x1024xf32, #tpu.memory_space<vmem_shared>>
    %dma_wait3A_747 = tpu.memref_squeeze %dma_wait3A_746 : memref<1x3x32x1024xf32, #tpu.memory_space<vmem_shared>> -> memref<3x32x1024xf32, #tpu.memory_space<vmem_shared>>
    %dma_wait3A_748 = arith.constant 0 : i32
    %dma_wait3A_749 = arith.constant 0 : i32
    %dma_wait3A_750 = tpu.memref_slice %dma_wait3A_747[%dma_wait3A_742, %dma_wait3A_748, %dma_wait3A_749] : memref<3x32x1024xf32, #tpu.memory_space<vmem_shared>> -> memref<1x32x1024xf32, #tpu.memory_space<vmem_shared>>
    %dma_wait3A_751 = tpu.memref_squeeze %dma_wait3A_750 : memref<1x32x1024xf32, #tpu.memory_space<vmem_shared>> -> memref<32x1024xf32, #tpu.memory_space<vmem_shared>>
    %dma_wait3A_752 = tpu.memref_slice %arg2[%add3A_680, %mul3A_77] : memref<8192x2048xf32, #tpu.memory_space<hbm>> -> memref<32x1024xf32, #tpu.memory_space<hbm>>
    tpu.wait_dma2 semaphore(%arg6 : memref<!tpu.dma_semaphore, #tpu.memory_space<semaphore_mem>>) src(%dma_wait3A_752 : memref<32x1024xf32, #tpu.memory_space<hbm>>) dst(%dma_wait3A_751 : memref<32x1024xf32, #tpu.memory_space<vmem_shared>>)
    %add3A_753 = arith.constant 416 : i32
    %add3A_754 = arith.addi %mul3A_79, %add3A_753 : i32
    %dma_start3A_755 = arith.constant 1 : i32
    %dma_start3A_756 = arith.constant 0 : i32
    %dma_start3A_757 = tpu.memref_slice %arg3[%add3A_754, %dma_start3A_756] : memref<16384x1024xf32, #tpu.memory_space<hbm>> -> memref<32x1024xf32, #tpu.memory_space<hbm>>
    %dma_start3A_758 = arith.constant 0 : i32
    %dma_start3A_759 = arith.constant 0 : i32
    %dma_start3A_760 = arith.constant 0 : i32
    %dma_start3A_761 = tpu.memref_slice %arg4[%arg1, %dma_start3A_758, %dma_start3A_759, %dma_start3A_760] : memref<16x3x32x1024xf32, #tpu.memory_space<vmem_shared>> -> memref<1x3x32x1024xf32, #tpu.memory_space<vmem_shared>>
    %dma_start3A_762 = tpu.memref_squeeze %dma_start3A_761 : memref<1x3x32x1024xf32, #tpu.memory_space<vmem_shared>> -> memref<3x32x1024xf32, #tpu.memory_space<vmem_shared>>
    %dma_start3A_763 = arith.constant 0 : i32
    %dma_start3A_764 = arith.constant 0 : i32
    %dma_start3A_765 = tpu.memref_slice %dma_start3A_762[%dma_start3A_755, %dma_start3A_763, %dma_start3A_764] : memref<3x32x1024xf32, #tpu.memory_space<vmem_shared>> -> memref<1x32x1024xf32, #tpu.memory_space<vmem_shared>>
    %dma_start3A_766 = tpu.memref_squeeze %dma_start3A_765 : memref<1x32x1024xf32, #tpu.memory_space<vmem_shared>> -> memref<32x1024xf32, #tpu.memory_space<vmem_shared>>
    tpu.enqueue_dma source(%dma_start3A_766 : memref<32x1024xf32, #tpu.memory_space<vmem_shared>>) target(%dma_start3A_757 : memref<32x1024xf32, #tpu.memory_space<hbm>>) target_semaphore(%arg9 : memref<!tpu.dma_semaphore, #tpu.memory_space<semaphore_mem>>)
    %dma_wait3A_767 = arith.constant 0 : i32
    %dma_wait3A_768 = arith.constant 0 : i32
    %dma_wait3A_769 = tpu.memref_slice %arg3[%add3A_704, %dma_wait3A_768] : memref<16384x1024xf32, #tpu.memory_space<hbm>> -> memref<32x1024xf32, #tpu.memory_space<hbm>>
    %dma_wait3A_770 = arith.constant 0 : i32
    %dma_wait3A_771 = arith.constant 0 : i32
    %dma_wait3A_772 = arith.constant 0 : i32
    %dma_wait3A_773 = tpu.memref_slice %arg4[%arg1, %dma_wait3A_770, %dma_wait3A_771, %dma_wait3A_772] : memref<16x3x32x1024xf32, #tpu.memory_space<vmem_shared>> -> memref<1x3x32x1024xf32, #tpu.memory_space<vmem_shared>>
    %dma_wait3A_774 = tpu.memref_squeeze %dma_wait3A_773 : memref<1x3x32x1024xf32, #tpu.memory_space<vmem_shared>> -> memref<3x32x1024xf32, #tpu.memory_space<vmem_shared>>
    %dma_wait3A_775 = arith.constant 0 : i32
    %dma_wait3A_776 = arith.constant 0 : i32
    %dma_wait3A_777 = tpu.memref_slice %dma_wait3A_774[%dma_wait3A_767, %dma_wait3A_775, %dma_wait3A_776] : memref<3x32x1024xf32, #tpu.memory_space<vmem_shared>> -> memref<1x32x1024xf32, #tpu.memory_space<vmem_shared>>
    %dma_wait3A_778 = tpu.memref_squeeze %dma_wait3A_777 : memref<1x32x1024xf32, #tpu.memory_space<vmem_shared>> -> memref<32x1024xf32, #tpu.memory_space<vmem_shared>>
    tpu.wait_dma2 semaphore(%arg8 : memref<!tpu.dma_semaphore, #tpu.memory_space<semaphore_mem>>) src(%dma_wait3A_778 : memref<32x1024xf32, #tpu.memory_space<vmem_shared>>) dst(%dma_wait3A_769 : memref<32x1024xf32, #tpu.memory_space<hbm>>)
    %add3A_779 = arith.constant 480 : i32
    %add3A_780 = arith.addi %add3A_75, %add3A_779 : i32
    %dma_start3A_781 = arith.constant 0 : i32
    %dma_start3A_782 = arith.constant 0 : i32
    %dma_start3A_783 = arith.constant 0 : i32
    %dma_start3A_784 = arith.constant 0 : i32
    %dma_start3A_785 = tpu.memref_slice %arg4[%arg1, %dma_start3A_782, %dma_start3A_783, %dma_start3A_784] : memref<16x3x32x1024xf32, #tpu.memory_space<vmem_shared>> -> memref<1x3x32x1024xf32, #tpu.memory_space<vmem_shared>>
    %dma_start3A_786 = tpu.memref_squeeze %dma_start3A_785 : memref<1x3x32x1024xf32, #tpu.memory_space<vmem_shared>> -> memref<3x32x1024xf32, #tpu.memory_space<vmem_shared>>
    %dma_start3A_787 = arith.constant 0 : i32
    %dma_start3A_788 = arith.constant 0 : i32
    %dma_start3A_789 = tpu.memref_slice %dma_start3A_786[%dma_start3A_781, %dma_start3A_787, %dma_start3A_788] : memref<3x32x1024xf32, #tpu.memory_space<vmem_shared>> -> memref<1x32x1024xf32, #tpu.memory_space<vmem_shared>>
    %dma_start3A_790 = tpu.memref_squeeze %dma_start3A_789 : memref<1x32x1024xf32, #tpu.memory_space<vmem_shared>> -> memref<32x1024xf32, #tpu.memory_space<vmem_shared>>
    %dma_start3A_791 = tpu.memref_slice %arg2[%add3A_780, %mul3A_77] : memref<8192x2048xf32, #tpu.memory_space<hbm>> -> memref<32x1024xf32, #tpu.memory_space<hbm>>
    tpu.enqueue_dma source(%dma_start3A_791 : memref<32x1024xf32, #tpu.memory_space<hbm>>) target(%dma_start3A_790 : memref<32x1024xf32, #tpu.memory_space<vmem_shared>>) target_semaphore(%arg5 : memref<!tpu.dma_semaphore, #tpu.memory_space<semaphore_mem>>)
    %dma_wait3A_792 = arith.constant 2 : i32
    %dma_wait3A_793 = arith.constant 0 : i32
    %dma_wait3A_794 = arith.constant 0 : i32
    %dma_wait3A_795 = arith.constant 0 : i32
    %dma_wait3A_796 = tpu.memref_slice %arg4[%arg1, %dma_wait3A_793, %dma_wait3A_794, %dma_wait3A_795] : memref<16x3x32x1024xf32, #tpu.memory_space<vmem_shared>> -> memref<1x3x32x1024xf32, #tpu.memory_space<vmem_shared>>
    %dma_wait3A_797 = tpu.memref_squeeze %dma_wait3A_796 : memref<1x3x32x1024xf32, #tpu.memory_space<vmem_shared>> -> memref<3x32x1024xf32, #tpu.memory_space<vmem_shared>>
    %dma_wait3A_798 = arith.constant 0 : i32
    %dma_wait3A_799 = arith.constant 0 : i32
    %dma_wait3A_800 = tpu.memref_slice %dma_wait3A_797[%dma_wait3A_792, %dma_wait3A_798, %dma_wait3A_799] : memref<3x32x1024xf32, #tpu.memory_space<vmem_shared>> -> memref<1x32x1024xf32, #tpu.memory_space<vmem_shared>>
    %dma_wait3A_801 = tpu.memref_squeeze %dma_wait3A_800 : memref<1x32x1024xf32, #tpu.memory_space<vmem_shared>> -> memref<32x1024xf32, #tpu.memory_space<vmem_shared>>
    %dma_wait3A_802 = tpu.memref_slice %arg2[%add3A_730, %mul3A_77] : memref<8192x2048xf32, #tpu.memory_space<hbm>> -> memref<32x1024xf32, #tpu.memory_space<hbm>>
    tpu.wait_dma2 semaphore(%arg7 : memref<!tpu.dma_semaphore, #tpu.memory_space<semaphore_mem>>) src(%dma_wait3A_802 : memref<32x1024xf32, #tpu.memory_space<hbm>>) dst(%dma_wait3A_801 : memref<32x1024xf32, #tpu.memory_space<vmem_shared>>)
    %add3A_803 = arith.constant 448 : i32
    %add3A_804 = arith.addi %mul3A_79, %add3A_803 : i32
    %dma_start3A_805 = arith.constant 2 : i32
    %dma_start3A_806 = arith.constant 0 : i32
    %dma_start3A_807 = tpu.memref_slice %arg3[%add3A_804, %dma_start3A_806] : memref<16384x1024xf32, #tpu.memory_space<hbm>> -> memref<32x1024xf32, #tpu.memory_space<hbm>>
    %dma_start3A_808 = arith.constant 0 : i32
    %dma_start3A_809 = arith.constant 0 : i32
    %dma_start3A_810 = arith.constant 0 : i32
    %dma_start3A_811 = tpu.memref_slice %arg4[%arg1, %dma_start3A_808, %dma_start3A_809, %dma_start3A_810] : memref<16x3x32x1024xf32, #tpu.memory_space<vmem_shared>> -> memref<1x3x32x1024xf32, #tpu.memory_space<vmem_shared>>
    %dma_start3A_812 = tpu.memref_squeeze %dma_start3A_811 : memref<1x3x32x1024xf32, #tpu.memory_space<vmem_shared>> -> memref<3x32x1024xf32, #tpu.memory_space<vmem_shared>>
    %dma_start3A_813 = arith.constant 0 : i32
    %dma_start3A_814 = arith.constant 0 : i32
    %dma_start3A_815 = tpu.memref_slice %dma_start3A_812[%dma_start3A_805, %dma_start3A_813, %dma_start3A_814] : memref<3x32x1024xf32, #tpu.memory_space<vmem_shared>> -> memref<1x32x1024xf32, #tpu.memory_space<vmem_shared>>
    %dma_start3A_816 = tpu.memref_squeeze %dma_start3A_815 : memref<1x32x1024xf32, #tpu.memory_space<vmem_shared>> -> memref<32x1024xf32, #tpu.memory_space<vmem_shared>>
    tpu.enqueue_dma source(%dma_start3A_816 : memref<32x1024xf32, #tpu.memory_space<vmem_shared>>) target(%dma_start3A_807 : memref<32x1024xf32, #tpu.memory_space<hbm>>) target_semaphore(%arg10 : memref<!tpu.dma_semaphore, #tpu.memory_space<semaphore_mem>>)
    %dma_wait3A_817 = arith.constant 0 : i32
    %dma_wait3A_818 = arith.constant 0 : i32
    %dma_wait3A_819 = arith.constant 0 : i32
    %dma_wait3A_820 = arith.constant 0 : i32
    %dma_wait3A_821 = tpu.memref_slice %arg4[%arg1, %dma_wait3A_818, %dma_wait3A_819, %dma_wait3A_820] : memref<16x3x32x1024xf32, #tpu.memory_space<vmem_shared>> -> memref<1x3x32x1024xf32, #tpu.memory_space<vmem_shared>>
    %dma_wait3A_822 = tpu.memref_squeeze %dma_wait3A_821 : memref<1x3x32x1024xf32, #tpu.memory_space<vmem_shared>> -> memref<3x32x1024xf32, #tpu.memory_space<vmem_shared>>
    %dma_wait3A_823 = arith.constant 0 : i32
    %dma_wait3A_824 = arith.constant 0 : i32
    %dma_wait3A_825 = tpu.memref_slice %dma_wait3A_822[%dma_wait3A_817, %dma_wait3A_823, %dma_wait3A_824] : memref<3x32x1024xf32, #tpu.memory_space<vmem_shared>> -> memref<1x32x1024xf32, #tpu.memory_space<vmem_shared>>
    %dma_wait3A_826 = tpu.memref_squeeze %dma_wait3A_825 : memref<1x32x1024xf32, #tpu.memory_space<vmem_shared>> -> memref<32x1024xf32, #tpu.memory_space<vmem_shared>>
    %dma_wait3A_827 = tpu.memref_slice %arg2[%add3A_780, %mul3A_77] : memref<8192x2048xf32, #tpu.memory_space<hbm>> -> memref<32x1024xf32, #tpu.memory_space<hbm>>
    tpu.wait_dma2 semaphore(%arg5 : memref<!tpu.dma_semaphore, #tpu.memory_space<semaphore_mem>>) src(%dma_wait3A_827 : memref<32x1024xf32, #tpu.memory_space<hbm>>) dst(%dma_wait3A_826 : memref<32x1024xf32, #tpu.memory_space<vmem_shared>>)
    %add3A_828 = arith.constant 480 : i32
    %add3A_829 = arith.addi %mul3A_79, %add3A_828 : i32
    %dma_start3A_830 = arith.constant 0 : i32
    %dma_start3A_831 = arith.constant 0 : i32
    %dma_start3A_832 = tpu.memref_slice %arg3[%add3A_829, %dma_start3A_831] : memref<16384x1024xf32, #tpu.memory_space<hbm>> -> memref<32x1024xf32, #tpu.memory_space<hbm>>
    %dma_start3A_833 = arith.constant 0 : i32
    %dma_start3A_834 = arith.constant 0 : i32
    %dma_start3A_835 = arith.constant 0 : i32
    %dma_start3A_836 = tpu.memref_slice %arg4[%arg1, %dma_start3A_833, %dma_start3A_834, %dma_start3A_835] : memref<16x3x32x1024xf32, #tpu.memory_space<vmem_shared>> -> memref<1x3x32x1024xf32, #tpu.memory_space<vmem_shared>>
    %dma_start3A_837 = tpu.memref_squeeze %dma_start3A_836 : memref<1x3x32x1024xf32, #tpu.memory_space<vmem_shared>> -> memref<3x32x1024xf32, #tpu.memory_space<vmem_shared>>
    %dma_start3A_838 = arith.constant 0 : i32
    %dma_start3A_839 = arith.constant 0 : i32
    %dma_start3A_840 = tpu.memref_slice %dma_start3A_837[%dma_start3A_830, %dma_start3A_838, %dma_start3A_839] : memref<3x32x1024xf32, #tpu.memory_space<vmem_shared>> -> memref<1x32x1024xf32, #tpu.memory_space<vmem_shared>>
    %dma_start3A_841 = tpu.memref_squeeze %dma_start3A_840 : memref<1x32x1024xf32, #tpu.memory_space<vmem_shared>> -> memref<32x1024xf32, #tpu.memory_space<vmem_shared>>
    tpu.enqueue_dma source(%dma_start3A_841 : memref<32x1024xf32, #tpu.memory_space<vmem_shared>>) target(%dma_start3A_832 : memref<32x1024xf32, #tpu.memory_space<hbm>>) target_semaphore(%arg8 : memref<!tpu.dma_semaphore, #tpu.memory_space<semaphore_mem>>)
    %dma_wait3A_842 = arith.constant 1 : i32
    %dma_wait3A_843 = arith.constant 0 : i32
    %dma_wait3A_844 = tpu.memref_slice %arg3[%add3A_754, %dma_wait3A_843] : memref<16384x1024xf32, #tpu.memory_space<hbm>> -> memref<32x1024xf32, #tpu.memory_space<hbm>>
    %dma_wait3A_845 = arith.constant 0 : i32
    %dma_wait3A_846 = arith.constant 0 : i32
    %dma_wait3A_847 = arith.constant 0 : i32
    %dma_wait3A_848 = tpu.memref_slice %arg4[%arg1, %dma_wait3A_845, %dma_wait3A_846, %dma_wait3A_847] : memref<16x3x32x1024xf32, #tpu.memory_space<vmem_shared>> -> memref<1x3x32x1024xf32, #tpu.memory_space<vmem_shared>>
    %dma_wait3A_849 = tpu.memref_squeeze %dma_wait3A_848 : memref<1x3x32x1024xf32, #tpu.memory_space<vmem_shared>> -> memref<3x32x1024xf32, #tpu.memory_space<vmem_shared>>
    %dma_wait3A_850 = arith.constant 0 : i32
    %dma_wait3A_851 = arith.constant 0 : i32
    %dma_wait3A_852 = tpu.memref_slice %dma_wait3A_849[%dma_wait3A_842, %dma_wait3A_850, %dma_wait3A_851] : memref<3x32x1024xf32, #tpu.memory_space<vmem_shared>> -> memref<1x32x1024xf32, #tpu.memory_space<vmem_shared>>
    %dma_wait3A_853 = tpu.memref_squeeze %dma_wait3A_852 : memref<1x32x1024xf32, #tpu.memory_space<vmem_shared>> -> memref<32x1024xf32, #tpu.memory_space<vmem_shared>>
    tpu.wait_dma2 semaphore(%arg9 : memref<!tpu.dma_semaphore, #tpu.memory_space<semaphore_mem>>) src(%dma_wait3A_853 : memref<32x1024xf32, #tpu.memory_space<vmem_shared>>) dst(%dma_wait3A_844 : memref<32x1024xf32, #tpu.memory_space<hbm>>)
    %dma_wait3A_854 = arith.constant 2 : i32
    %dma_wait3A_855 = arith.constant 0 : i32
    %dma_wait3A_856 = tpu.memref_slice %arg3[%add3A_804, %dma_wait3A_855] : memref<16384x1024xf32, #tpu.memory_space<hbm>> -> memref<32x1024xf32, #tpu.memory_space<hbm>>
    %dma_wait3A_857 = arith.constant 0 : i32
    %dma_wait3A_858 = arith.constant 0 : i32
    %dma_wait3A_859 = arith.constant 0 : i32
    %dma_wait3A_860 = tpu.memref_slice %arg4[%arg1, %dma_wait3A_857, %dma_wait3A_858, %dma_wait3A_859] : memref<16x3x32x1024xf32, #tpu.memory_space<vmem_shared>> -> memref<1x3x32x1024xf32, #tpu.memory_space<vmem_shared>>
    %dma_wait3A_861 = tpu.memref_squeeze %dma_wait3A_860 : memref<1x3x32x1024xf32, #tpu.memory_space<vmem_shared>> -> memref<3x32x1024xf32, #tpu.memory_space<vmem_shared>>
    %dma_wait3A_862 = arith.constant 0 : i32
    %dma_wait3A_863 = arith.constant 0 : i32
    %dma_wait3A_864 = tpu.memref_slice %dma_wait3A_861[%dma_wait3A_854, %dma_wait3A_862, %dma_wait3A_863] : memref<3x32x1024xf32, #tpu.memory_space<vmem_shared>> -> memref<1x32x1024xf32, #tpu.memory_space<vmem_shared>>
    %dma_wait3A_865 = tpu.memref_squeeze %dma_wait3A_864 : memref<1x32x1024xf32, #tpu.memory_space<vmem_shared>> -> memref<32x1024xf32, #tpu.memory_space<vmem_shared>>
    tpu.wait_dma2 semaphore(%arg10 : memref<!tpu.dma_semaphore, #tpu.memory_space<semaphore_mem>>) src(%dma_wait3A_865 : memref<32x1024xf32, #tpu.memory_space<vmem_shared>>) dst(%dma_wait3A_856 : memref<32x1024xf32, #tpu.memory_space<hbm>>)
    %dma_wait3A_866 = arith.constant 0 : i32
    %dma_wait3A_867 = arith.constant 0 : i32
    %dma_wait3A_868 = tpu.memref_slice %arg3[%add3A_829, %dma_wait3A_867] : memref<16384x1024xf32, #tpu.memory_space<hbm>> -> memref<32x1024xf32, #tpu.memory_space<hbm>>
    %dma_wait3A_869 = arith.constant 0 : i32
    %dma_wait3A_870 = arith.constant 0 : i32
    %dma_wait3A_871 = arith.constant 0 : i32
    %dma_wait3A_872 = tpu.memref_slice %arg4[%arg1, %dma_wait3A_869, %dma_wait3A_870, %dma_wait3A_871] : memref<16x3x32x1024xf32, #tpu.memory_space<vmem_shared>> -> memref<1x3x32x1024xf32, #tpu.memory_space<vmem_shared>>
    %dma_wait3A_873 = tpu.memref_squeeze %dma_wait3A_872 : memref<1x3x32x1024xf32, #tpu.memory_space<vmem_shared>> -> memref<3x32x1024xf32, #tpu.memory_space<vmem_shared>>
    %dma_wait3A_874 = arith.constant 0 : i32
    %dma_wait3A_875 = arith.constant 0 : i32
    %dma_wait3A_876 = tpu.memref_slice %dma_wait3A_873[%dma_wait3A_866, %dma_wait3A_874, %dma_wait3A_875] : memref<3x32x1024xf32, #tpu.memory_space<vmem_shared>> -> memref<1x32x1024xf32, #tpu.memory_space<vmem_shared>>
    %dma_wait3A_877 = tpu.memref_squeeze %dma_wait3A_876 : memref<1x32x1024xf32, #tpu.memory_space<vmem_shared>> -> memref<32x1024xf32, #tpu.memory_space<vmem_shared>>
    tpu.wait_dma2 semaphore(%arg8 : memref<!tpu.dma_semaphore, #tpu.memory_space<semaphore_mem>>) src(%dma_wait3A_877 : memref<32x1024xf32, #tpu.memory_space<vmem_shared>>) dst(%dma_wait3A_868 : memref<32x1024xf32, #tpu.memory_space<hbm>>)
    return
  }
}

</mosaic_0001>

<sc_bundles>
// kernel: kernel.3.cloned.1.call-start
scs
__scs_entry_jumppad:
0x0: {  	(pc) =	sbr.rel $0x88, $3  }
0x1: {  	(tag) =	ssettag $0x0;
	lr =	simm.s32 $0x1  }
0x2: {  	[smem:$0x3FA0] =	sst lr;
	_ =	strace $0xD0000000  }
0x3: {  	_ = 	snop  }
0x4: {  	_ = 	snop  }
0x5: {  	_ = 	snop  }
0x6: {  	_ = 	snop  }
0x7: {  	_ = 	snop  }
__scs_overlays_trampoline_lowered:
0x8: {  	[smem:$0x3FAF] =	sst s0  }
0x9: {  	[smem:$0x3FB0] =	sst s1  }
0xa: {  	[smem:$0x3FB1] =	sst s2  }
0xb: {  	[smem:$0x3FB2] =	sst s3  }
0xc: {  	[smem:$0x3FB3] =	sst s4  }
0xd: {  	[smem:$0x3FB4] =	sst s5  }
0xe: {  	[smem:$0x3FB5] =	sst s6  }
0xf: {  	[smem:$0x3FB6] =	sst s7  }
0x10: {  	[smem:$0x3FB7] =	sst s8  }
0x11: {  	[smem:$0x3FB8] =	sst s9;
	s0 =	simm.s32 @!p0 $0x0  }
0x12: {  	s1 =	sld [smem:$0x3F9E];
	s0 =	simm.s32 @p0 $0x1  }
0x13: {  	[smem:$0x3FB9] =	sst s0;
	s0 =	simm.s32 @!p1 $0x0  }
0x14: {  	s2 =	sld [smem:$0x3F9D];
	s0 =	simm.s32 @p1 $0x1  }
0x15: {  	[smem:$0x3FBA] =	sst s0;
	s0 =	simm.s32 @!p2 $0x0  }
0x16: {  	s3 =	sld [smem:$0x3FDB];
	s0 =	simm.s32 @p2 $0x1  }
0x17: {  	s4 =	simm.s32 $0x1BF5;
	[smem:$0x3FBC] =	sst s0  }
0x18: {  	s0 =	sld [smem:$0x3F9F];
	_ =	swait.ge [sflag:s4], $0x0  }
0x19: {  	s7 =	sld [smem:$0x3FA0]  }
0x1a: {  	s8 =	sadd.s32 $0xFFFFE003, lr  }
0x1b: {  	s9 =	sadd.s32 $0xFFFFFEF7, lr;
	s5 =	simm.s32 $0xFFFFFFFF;
	p2 =	slt.u32 s8, $0xFFFFF086  }
0x1c: {  	p1 =	slt.u32 s9, $0xF7A;
	s5 =	simm.s32 @!p2 $0x0  }
0x1d: {  	s5 =	simm.s32 @p1 $0x1;
	p0 =	seq.s32 s7, s2  }
0x1e: {  	s7 =	smul.u32 @!p0 $0xF7A, s2;
	p2 =	seq.s32 @!p0 s5, $0x0  }
0x1f: {  	s9 =	smul.u32 $0xF7A, s1;
	s8 =	simm.s32 @!p0 $0x1BF5;
	p2 =	por !p2, p0  }
0x20: {  	[sflag:s8] =	ssyncset.s32 @!p0 $0xFFFFF086;
	s6 =	sadd.s32 @!p0 s3, s7;
	s7 =	simm.s32 @!p0 $0x108  }
0x21: {  	s3 =	sadd.s32 s3, s9;
	s6 =	sadd.s32 @!p0 $0x88, s6;
	s7 =	simm.s32 @p2 $0x1082  }
0x22: {  	[simem:s7], [sflag:s8] =	dma.local @!p0 [hbm:s6], $0xF7A  }
0x23: {  	s9 =	sor.u32 $0xD0000000, s2;
	s6 =	simm.s32 $0x108;
	_ =	swait.ge @!p0 [sflag:s8], $0x0  }
0x24: {  	s3 =	sadd.s32 $0x88, s3;
	s6 =	simm.s32 @!p1 $0x1082;
	[sflag:s4] =	ssyncset.s32 $0xFFFFF086  }
0x25: {  	[simem:s6], [sflag:s4] =	dma.local [hbm:s3], $0xF7A  }
0x26: {  	[smem:$0x3FA0] =	sst s1;
	(tag) =	ssettag s2;
	_ =	strace s9  }
0x27: {  	s1 =	sld [smem:$0x3FB0]  }
0x28: {  	s2 =	sld [smem:$0x3FB1]  }
0x29: {  	s4 =	sld [smem:$0x3FB3]  }
0x2a: {  	p0 =	seq.s32 s5, $0x0;
	s5 =	sld [smem:$0x3FB4]  }
0x2b: {  	s6 =	sld [smem:$0x3FB5]  }
0x2c: {  	s7 =	sld [smem:$0x3FB6]  }
0x2d: {  	s3 =	simm.s32 $0x108;
	s8 =	sld [smem:$0x3FB7]  }
0x2e: {  	s3 =	simm.s32 @!p0 $0x1082;
	s9 =	sld [smem:$0x3FB8]  }
0x2f: {  	lr =	sadd.s32 s0, s3;
	s0 =	sld [smem:$0x3FAF]  }
0x30: {  	s3 =	sld [smem:$0x3FB2]  }
0x31: {  	[smem:$0x3FBB] =	sst s10  }
0x32: {  	s10 =	sld [smem:$0x3FB9];
	_ =	sdelay $0x3  }
0x33: {  	p0 =	seq.s32 s10, $0x1;
	s10 =	sld [smem:$0x3FBB];
	_ =	sdelay $0x3  }
0x34: {  	[smem:$0x3FBB] =	sst s10  }
0x35: {  	s10 =	sld [smem:$0x3FBA];
	_ =	sdelay $0x3  }
0x36: {  	p1 =	seq.s32 s10, $0x1;
	s10 =	sld [smem:$0x3FBB];
	_ =	sdelay $0x3  }
0x37: {  	[smem:$0x3FBB] =	sst s10  }
0x38: {  	s10 =	sld [smem:$0x3FBC]  }
0x39: {  	_ = 	snop;
	(pc) =	sbr.ind lr, $3  }
0x3a: {  	_ = 	snop  }
0x3b: {  	_ = 	snop  }
0x3c: {  	p2 =	seq.s32 s10, $0x1;
	s10 =	sld [smem:$0x3FBB]  }
0x3d: {  	_ =	shalt  }
0x3e: {  	_ =	shalt  }
0x3f: {  	_ =	shalt  }
0x40: {  	_ =	shalt  }
0x41: {  	_ =	shalt  }
0x42: {  	_ =	shalt  }
0x43: {  	_ =	shalt  }
0x44: {  	_ =	shalt  }
0x45: {  	_ =	shalt  }
0x46: {  	_ =	shalt  }
0x47: {  	_ =	shalt  }
0x48: {  	_ =	shalt  }
0x49: {  	_ =	shalt  }
0x4a: {  	_ =	shalt  }
0x4b: {  	_ =	shalt  }
0x4c: {  	_ =	shalt  }
0x4d: {  	_ =	shalt  }
0x4e: {  	_ =	shalt  }
0x4f: {  	_ =	shalt  }
0x50: {  	_ =	shalt  }
0x51: {  	_ =	shalt  }
0x52: {  	_ =	shalt  }
0x53: {  	_ =	shalt  }
0x54: {  	_ =	shalt  }
0x55: {  	_ =	shalt  }
0x56: {  	_ =	shalt  }
0x57: {  	_ =	shalt  }
0x58: {  	_ =	shalt  }
0x59: {  	_ =	shalt  }
0x5a: {  	_ =	shalt  }
0x5b: {  	_ =	shalt  }
0x5c: {  	_ =	shalt  }
0x5d: {  	_ =	shalt  }
0x5e: {  	_ =	shalt  }
0x5f: {  	_ =	shalt  }
0x60: {  	_ =	shalt  }
0x61: {  	_ =	shalt  }
0x62: {  	_ =	shalt  }
0x63: {  	_ =	shalt  }
0x64: {  	_ =	shalt  }
0x65: {  	_ =	shalt  }
0x66: {  	_ =	shalt  }
0x67: {  	_ =	shalt  }
0x68: {  	_ =	shalt  }
0x69: {  	_ =	shalt  }
0x6a: {  	_ =	shalt  }
0x6b: {  	_ =	shalt  }
0x6c: {  	_ =	shalt  }
0x6d: {  	_ =	shalt  }
0x6e: {  	_ =	shalt  }
0x6f: {  	_ =	shalt  }
0x70: {  	_ =	shalt  }
0x71: {  	_ =	shalt  }
0x72: {  	_ =	shalt  }
0x73: {  	_ =	shalt  }
0x74: {  	_ =	shalt  }
0x75: {  	_ =	shalt  }
0x76: {  	_ =	shalt  }
0x77: {  	_ =	shalt  }
0x78: {  	_ =	shalt  }
0x79: {  	_ =	shalt  }
0x7a: {  	_ =	shalt  }
0x7b: {  	_ =	shalt  }
0x7c: {  	_ =	shalt  }
0x7d: {  	_ =	shalt  }
0x7e: {  	_ =	shalt  }
0x7f: {  	_ =	shalt  }
0x80: {  	_ =	shalt  }
0x81: {  	_ =	shalt  }
0x82: {  	_ =	shalt  }
0x83: {  	_ =	shalt  }
0x84: {  	_ =	shalt  }
0x85: {  	_ =	shalt  }
0x86: {  	_ =	shalt  }
0x87: {  	_ =	shalt  }
.Lfunc_end0:
.L_simem_size_0:
called_computation_lowered:
.L_overlay_start_0:
0x88: {  	s2 =	sld [smem:$0x3FD9]  }
0x89: {  	s3 =	sld [smem:$0x3FFE];
	_ =	sdelay $0x1  }
0x8a: {  	s1 =	srdreg.scid  }
0x8b: {  	s0 =	sand.u32 $0x1, s1  }
0x8c: {  	s17 =	sshll.u32 s0, $0xA;
	s2 =	sadd.s32 s3, s2  }
0x8d: {  	s2 =	sadd.s32 s2, s17  }
0x8e: {  	[smem:$0x3FC7] =	sst s2  }
0x8f: {  	_ = 	snop  }
0x90: {  	s2 =	sld [smem:$0x3FD0];
	(tm) =	ssettm $0x1  }
0x91: {  	s18 =	sld [smem:$0x3FFB];
	_ =	sdelay $0x3  }
0x92: {  	_ =	strace s18  }
0x93: {  	s3 =	sld [smem:$0x3FFC];
	_ =	sdelay $0x3  }
0x94: {  	_ =	strace s3  }
0x95: {  	s3 =	sld [smem:$0x3FFD];
	_ =	sdelay $0x3  }
0x96: {  	_ =	strace s3  }
0x97: {  	_ =	strace $0x8FFFFFFF  }
0x98: {  	s19 =	sld [smem:$0x3FDB];
	_ =	sdelay $0x1  }
0x99: {  	s4 =	simm.s32 $_scs_section_size  }
0x9a: {  	s5 =	simm.s32 $_size__tile_overlayer_lowered;
	s6 =	simm.s32 $_tile_overlayer_lowered  }
0x9b: {  	s22 =	simm.s32 $0x1BFF;
	s21 =	sshll.u32 s6, $0x1;
	s3 =	sadd.s32 s4, s19  }
0x9c: {  	s7 =	simm.s32 $0x0;
	s20 =	sshll.u32 s5, $0x1;
	s5 =	sadd.s32 s21, s3  }
0x9d: {  	[timem:s7], [sflag:s22] =	dma.local [hbm:s5], s20  }
0x9e: {  	_ =	swait.ge [sflag:s22], s20  }
0x9f: {  	s4 =	ssub.s32 $0x0, s20;
	[sflag:s22] =	ssyncset.done $0x0  }
0xa0: {  	[sflag:s22] =	ssyncadd.s32 s4;
	_ =	sdelay $0x1  }
0xa1: {  	s23 =	simm.s32 $0x1B8B  }
0xa2: {  	_ =	swait.ge [sflag:s23], $0x1  }
0xa3: {  	[sflag:s23] =	ssyncset.done $0x0  }
0xa4: {  	s25 =	simm.s32 $0x1B8E;
	s24 =	sld [smem:$0x3FFE];
	[sflag:s23] =	ssyncadd.s32 $0xFFFFFFFF  }
0xa5: {  	s26 =	simm.s32 $execute0_lowered;
	[smem:$0x3FD2] =	sst s25  }
0xa6: {  	s5 =	sshll.u32 s26, $0x1;
	_ =	strace $0x80000046;
	[dreg:$0x1] =	wrdreg $0xFFFFFFFF  }
0xa7: {  	s28 =	simm.s32 $_size_execute0_lowered;
	s3 =	sadd.s32 s3, s5;
	[dreg:$0x0] =	wrdreg $0x0  }
0xa8: {  	s5 =	sshll.u32 s28, $0x1;
	[dreg:$0x2] =	wrdreg s3  }
0xa9: {  	[dreg:$0x3] =	wrdreg s5  }
0xaa: {  	[dreg:$0x4] =	wrdreg $0xC0  }
0xab: {  	_ =	task [dreg:s7], $0x5FFFF  }
0xac: {  	[dreg:$0x1] =	wrdreg $0xFFFFFFFF  }
0xad: {  	[dreg:$0x0] =	wrdreg $0x60  }
0xae: {  	[dreg:$0x2] =	wrdreg s24  }
0xaf: {  	[dreg:$0x3] =	wrdreg s2  }
0xb0: {  	[dreg:$0x4] =	wrdreg $0x0  }
0xb1: {  	[dreg:$0x5] =	wrdreg $0x9  }
0xb2: {  	_ =	task.clear_ibuf [dreg:s7], $0x6FFFF;
	_ =	strace $0x90000046  }
0xb3: {  	s29 =	simm.s32 $0x9;
	_ =	strace $0x80000048  }
0xb4: {  	_ =	swait.ge [sflag:s29], $0x1  }
0xb5: {  	[sflag:s29] =	ssyncadd.s32 $0xFFFFFFFF  }
0xb6: {  	_ =	strace $0x90000048  }
0xb7: {  	_ =	sfence  }
0xb8: {  	s30 =	sld [smem:$0x0];
	_ =	sdelay $0x2  }
0xb9: {  	s31 =	sshll.u32 s1, $0xD;
	s1 =	sshrl.u32 s1, $0x2  }
0xba: {  	s3 =	sand.u32 $0x4000, s31;
	s1 =	sadd.s32 s1, s30  }
0xbb: {  	s0 =	sor.u32 s3, s0;
	s1 =	sshll.u32 s1, $0x11  }
0xbc: {  	s0 =	sor.u32 s1, s0  }
0xbd: {  	s0 =	sadd.s32 $0x8F2B, s0  }
0xbe: {  	[sflag:s0] =	ssyncadd.remote.s32 $0x1  }
0xbf: {  	_ =	sfence.sel $0xFFFF  }
0xc0: {  	[dreg:$0x0] =	wrdreg $0xFFFFFFFF;
	(pc) =	sbr.abs _section_cstart, $3  }
0xc1: {  	[dreg:$0x1] =	wrdreg $0xFFFFFFFF  }
0xc2: {  	_ =	task.clear_ibuf [dreg:s7], $0x2FFFF;
	_ =	strace $0x9FFFFFFF  }
0xc3: {  	(tm) =	ssettm $0x7FFFFFFF  }
tec
execute0_lowered:
.L_overlay_start_1:
0x0: {  	(tag) =	ssettag $0x1  }
0x1: {  	s1 =	rddreg [dreg:$0x0]  }
0x2: {  	s5 =	rddreg [dreg:$0x1]  }
0x3: {  	s0 =	srdreg.scid;
	s28 =	rddreg [dreg:$0x2]  }
0x4: {  	s29 =	stileid.u32;
	s30 =	rddreg [dreg:$0x3];
	s7 =	simm.s32 $0x0  }
0x5: {  	p0 =	por $0x0, $0x0;
	s0 =	sand.u32 $0x1, s0;
	s2 =	sshll.u32 s29, $0x1  }
0x6: {  	s3 =	sshll.u32 s29, $0x11;
	s4 =	sshll.u32 s29, $0x9;
	[smem:$0x7FF] =	sst s7  }
0x7: {  	s17 =	smul.u32 $0x60000, s29;
	s25 =	sshll.u32 s29, $0x6;
	s2 =	sor.u32 s0, s2  }
0x8: {  	s3 =	sor.u32 s3, s4;
	s6 =	sshll.u32 s2, $0x11;
	s2 =	sshll.u32 s2, $0x10  }
0x9: {  	_ =	strace $0x80000047;
	s0 =	ssub.s32 $0x2, s0;
	s24 =	sadd.s32 s5, s2  }
0xa: {  	s3 =	sand.u32 $0x180400, s3;
	s15 =	sshrl.u32 s0, $0x1;
	s5 =	sadd.s32 $0x1000, s24  }
0xb: {  	s20 =	sshrl.u32 s17, $0x2;
	s7 =	sadd.s32 $0x2000, s24;
	[dreg:$0x7] =	wrdreg s5  }
0xc: {  	s17 =	simm.s32 $0x3;
	s9 =	sadd.s32 $0x3000, s24;
	[dreg:$0x9] =	wrdreg s7  }
0xd: {  	s6 =	sand.u32 $0x60000, s6;
	s11 =	sadd.s32 $0x4000, s24;
	[dreg:$0xb] =	wrdreg s9  }
0xe: {  	s0 =	ssub.s32 s0, s15;
	s13 =	sadd.s32 $0x5000, s24;
	[dreg:$0xd] =	wrdreg s11  }
0xf: {  	s2 =	sor.u32 $0x1C01, s25;
	s16 =	sadd.s32 $0x6000, s24;
	[dreg:$0xf] =	wrdreg s13  }
0x10: {  	s15 =	simm.s32 $0x800;
	s19 =	sadd.s32 $0x7000, s24;
	[dreg:$0x11] =	wrdreg s16  }
0x11: {  	s3 =	sor.u32 s6, s3;
	s22 =	sadd.s32 $0x8000, s24;
	[dreg:$0x13] =	wrdreg s19  }
0x12: {  	s26 =	sadd.s32 $0x9000, s24;
	s1 =	sadd.s32 s3, s1;
	[dreg:$0x15] =	wrdreg s22  }
0x13: {  	s0 =	smax.u32 s0, $0x1;
	[dreg:$0x17] =	wrdreg s26;
	s3 =	sadd.s32 $0x400, s1  }
0x14: {  	s11 =	sadd.s32 s20, s28;
	s31 =	sadd.s32 $0x2400, s1;
	[dreg:$0x4] =	wrdreg s3  }
0x15: {  	s16 =	sadd.s32 $0xC000, s24;
	s6 =	sadd.s32 $0x6400, s1;
	[dreg:$0x5] =	wrdreg s31  }
0x16: {  	s9 =	sadd.s32 $0xD000, s24;
	s8 =	sadd.s32 $0x8400, s1;
	[dreg:$0x8] =	wrdreg s6  }
0x17: {  	s5 =	sadd.s32 $0xE000, s24;
	s10 =	sadd.s32 $0xA400, s1;
	[dreg:$0xa] =	wrdreg s8  }
0x18: {  	s7 =	simm.s32 $0x1;
	s12 =	sadd.s32 $0xC400, s1;
	[dreg:$0xc] =	wrdreg s10  }
0x19: {  	s22 =	simm.s32 $0x2;
	s14 =	sadd.s32 $0xE400, s1;
	[dreg:$0xe] =	wrdreg s12  }
0x1a: {  	p1 =	sne.s32 s0, $0x1;
	s18 =	sadd.s32 $0x10400, s1;
	[dreg:$0x10] =	wrdreg s14  }
0x1b: {  	s21 =	sadd.s32 $0x12400, s1;
	s23 =	sadd.s32 $0x14400, s1;
	[dreg:$0x12] =	wrdreg s18  }
0x1c: {  	s4 =	sadd.s32 $0x8000, s11;
	s28 =	sadd.s32 $0x16400, s1;
	[dreg:$0x14] =	wrdreg s21  }
0x1d: {  	s20 =	sadd.s32 $0x1A400, s1;
	s3 =	sadd.s32 $0x4400, s1;
	[dreg:$0x16] =	wrdreg s23  }
0x1e: {  	s8 =	sadd.s32 $0x10000, s11;
	[dreg:$0x18] =	wrdreg s28;
	s31 =	sadd.s32 $0xA000, s24  }
0x1f: {  	s23 =	sadd.s32 $0x18400, s1;
	s21 =	sadd.s32 $0xB000, s24;
	s14 =	sadd.s32 $0x1C400, s1  }
.Ltmp0:
0x20: {  	s6 =	sadd.s32 $0x1E400, s1;
	s10 =	simm.s32 $0x40;
	(pc) =	sbr.rel @!p1 .LBB2_5-.Ltmp0, $4  }
0x21: {  	s12 =	simm.s32 $0x400;
	s19 =	sshrl.u32 s4, $0x3;
	s4 =	simm.s32 $0x4  }
0x22: {  	s1 =	sadd.s32 $0xFFFFFFFF, s0;
	s18 =	sshrl.u32 s11, $0x3;
	[dreg:$0x6] =	wrdreg s3  }
0x23: {  	s11 =	simm.s32 $0x6;
	[dreg:$0x19] =	wrdreg s31;
	s3 =	sadd.s32 $0xF000, s24  }
0x24: {  	s13 =	sshrl.u32 s8, $0x3;
	s8 =	simm.s32 $0x5;
	s0 =	rddreg [dreg:$0x4]  }
0x25: {  	[spmem:s18@s12], [sflag:s2] =	dma.strided [hbm:s0@s15], $0x1000, s10, $0x10   }
0x26: {  	s26 =	sor.u32 $0x1C02, s25;
	s0 =	rddreg [dreg:$0x5]  }
0x27: {  	[spmem:s19@s12], [sflag:s26] =	dma.strided [hbm:s0@s15], $0x1000, s10, $0x10   }
0x28: {  	_ =	swait.ge [sflag:s7], $0x1000  }
0x29: {  	[sflag:s7] =	ssyncset.done $0x0  }
0x2a: {  	s28 =	sor.u32 $0x1C04, s25;
	[sflag:s7] =	ssyncadd.s32 $0xFFFFF000  }
0x2b: {  	[hbm:s24], [sflag:s28] =	dma.local [spmem:s18], $0x1000  }
0x2c: {  	s29 =	sor.u32 $0x1C03, s25;
	s0 =	rddreg [dreg:$0x6]  }
0x2d: {  	[spmem:s13@s12], [sflag:s29] =	dma.strided [hbm:s0@s15], $0x1000, s10, $0x10   }
0x2e: {  	_ =	swait.ge [sflag:s22], $0x1000  }
0x2f: {  	[sflag:s22] =	ssyncset.done $0x0  }
0x30: {  	s30 =	sor.u32 $0x1C05, s25;
	s0 =	rddreg [dreg:$0x7];
	[sflag:s22] =	ssyncadd.s32 $0xFFFFF000  }
0x31: {  	[hbm:s0], [sflag:s30] =	dma.local [spmem:s19], $0x1000  }
0x32: {  	_ =	swait.ge [sflag:s4], $0x1000  }
0x33: {  	[sflag:s4] =	ssyncset.done $0x0  }
0x34: {  	s0 =	rddreg [dreg:$0x8];
	[sflag:s4] =	ssyncadd.s32 $0xFFFFF000  }
0x35: {  	[spmem:s18@s12], [sflag:s2] =	dma.strided [hbm:s0@s15], $0x1000, s10, $0x10   }
0x36: {  	_ =	swait.ge [sflag:s17], $0x1000  }
0x37: {  	[sflag:s17] =	ssyncset.done $0x0  }
0x38: {  	s31 =	sor.u32 $0x1C06, s25;
	s0 =	rddreg [dreg:$0x9];
	[sflag:s17] =	ssyncadd.s32 $0xFFFFF000  }
0x39: {  	[hbm:s0], [sflag:s31] =	dma.local [spmem:s13], $0x1000  }
0x3a: {  	_ =	swait.ge [sflag:s8], $0x1000  }
0x3b: {  	[sflag:s8] =	ssyncset.done $0x0  }
0x3c: {  	s0 =	rddreg [dreg:$0xa];
	[sflag:s8] =	ssyncadd.s32 $0xFFFFF000  }
0x3d: {  	[spmem:s19@s12], [sflag:s26] =	dma.strided [hbm:s0@s15], $0x1000, s10, $0x10   }
0x3e: {  	_ =	swait.ge [sflag:s7], $0x1000  }
0x3f: {  	[sflag:s7] =	ssyncset.done $0x0  }
0x40: {  	s0 =	rddreg [dreg:$0xb];
	[sflag:s7] =	ssyncadd.s32 $0xFFFFF000  }
0x41: {  	[hbm:s0], [sflag:s28] =	dma.local [spmem:s18], $0x1000  }
0x42: {  	_ =	swait.ge [sflag:s11], $0x1000  }
0x43: {  	[sflag:s11] =	ssyncset.done $0x0  }
0x44: {  	s0 =	rddreg [dreg:$0xc];
	[sflag:s11] =	ssyncadd.s32 $0xFFFFF000  }
0x45: {  	[spmem:s13@s12], [sflag:s29] =	dma.strided [hbm:s0@s15], $0x1000, s10, $0x10   }
0x46: {  	_ =	swait.ge [sflag:s22], $0x1000  }
0x47: {  	[sflag:s22] =	ssyncset.done $0x0  }
0x48: {  	s0 =	rddreg [dreg:$0xd];
	[sflag:s22] =	ssyncadd.s32 $0xFFFFF000  }
0x49: {  	[hbm:s0], [sflag:s30] =	dma.local [spmem:s19], $0x1000  }
0x4a: {  	_ =	swait.ge [sflag:s4], $0x1000  }
0x4b: {  	[sflag:s4] =	ssyncset.done $0x0  }
0x4c: {  	s0 =	rddreg [dreg:$0xe];
	[sflag:s4] =	ssyncadd.s32 $0xFFFFF000  }
0x4d: {  	[spmem:s18@s12], [sflag:s2] =	dma.strided [hbm:s0@s15], $0x1000, s10, $0x10   }
0x4e: {  	_ =	swait.ge [sflag:s17], $0x1000  }
0x4f: {  	[sflag:s17] =	ssyncset.done $0x0  }
0x50: {  	s0 =	rddreg [dreg:$0xf];
	[sflag:s17] =	ssyncadd.s32 $0xFFFFF000  }
0x51: {  	[hbm:s0], [sflag:s31] =	dma.local [spmem:s13], $0x1000  }
0x52: {  	_ =	swait.ge [sflag:s8], $0x1000  }
0x53: {  	[sflag:s8] =	ssyncset.done $0x0  }
0x54: {  	s0 =	rddreg [dreg:$0x10];
	[sflag:s8] =	ssyncadd.s32 $0xFFFFF000  }
0x55: {  	[spmem:s19@s12], [sflag:s26] =	dma.strided [hbm:s0@s15], $0x1000, s10, $0x10   }
0x56: {  	_ =	swait.ge [sflag:s7], $0x1000  }
0x57: {  	[sflag:s7] =	ssyncset.done $0x0  }
0x58: {  	s0 =	rddreg [dreg:$0x11];
	[sflag:s7] =	ssyncadd.s32 $0xFFFFF000  }
0x59: {  	[hbm:s0], [sflag:s28] =	dma.local [spmem:s18], $0x1000  }
0x5a: {  	_ =	swait.ge [sflag:s11], $0x1000  }
0x5b: {  	[sflag:s11] =	ssyncset.done $0x0  }
0x5c: {  	s0 =	rddreg [dreg:$0x12];
	[sflag:s11] =	ssyncadd.s32 $0xFFFFF000  }
0x5d: {  	[spmem:s13@s12], [sflag:s29] =	dma.strided [hbm:s0@s15], $0x1000, s10, $0x10   }
0x5e: {  	_ =	swait.ge [sflag:s22], $0x1000  }
0x5f: {  	[sflag:s22] =	ssyncset.done $0x0  }
0x60: {  	s0 =	rddreg [dreg:$0x13];
	[sflag:s22] =	ssyncadd.s32 $0xFFFFF000  }
0x61: {  	[hbm:s0], [sflag:s30] =	dma.local [spmem:s19], $0x1000  }
0x62: {  	_ =	swait.ge [sflag:s4], $0x1000  }
0x63: {  	[sflag:s4] =	ssyncset.done $0x0  }
0x64: {  	s0 =	rddreg [dreg:$0x14];
	[sflag:s4] =	ssyncadd.s32 $0xFFFFF000  }
0x65: {  	[spmem:s18@s12], [sflag:s2] =	dma.strided [hbm:s0@s15], $0x1000, s10, $0x10   }
0x66: {  	_ =	swait.ge [sflag:s17], $0x1000  }
0x67: {  	[sflag:s17] =	ssyncset.done $0x0  }
0x68: {  	s0 =	rddreg [dreg:$0x15];
	[sflag:s17] =	ssyncadd.s32 $0xFFFFF000  }
0x69: {  	[hbm:s0], [sflag:s31] =	dma.local [spmem:s13], $0x1000  }
0x6a: {  	_ =	swait.ge [sflag:s8], $0x1000  }
0x6b: {  	[sflag:s8] =	ssyncset.done $0x0  }
0x6c: {  	s0 =	rddreg [dreg:$0x16];
	[sflag:s8] =	ssyncadd.s32 $0xFFFFF000  }
0x6d: {  	[spmem:s19@s12], [sflag:s26] =	dma.strided [hbm:s0@s15], $0x1000, s10, $0x10   }
0x6e: {  	_ =	swait.ge [sflag:s7], $0x1000  }
0x6f: {  	[sflag:s7] =	ssyncset.done $0x0  }
0x70: {  	s0 =	rddreg [dreg:$0x17];
	[sflag:s7] =	ssyncadd.s32 $0xFFFFF000  }
0x71: {  	[hbm:s0], [sflag:s28] =	dma.local [spmem:s18], $0x1000  }
0x72: {  	_ =	swait.ge [sflag:s11], $0x1000  }
0x73: {  	[sflag:s11] =	ssyncset.done $0x0  }
0x74: {  	s0 =	rddreg [dreg:$0x18];
	[sflag:s11] =	ssyncadd.s32 $0xFFFFF000  }
0x75: {  	[spmem:s13@s12], [sflag:s29] =	dma.strided [hbm:s0@s15], $0x1000, s10, $0x10   }
0x76: {  	_ =	swait.ge [sflag:s22], $0x1000  }
0x77: {  	[sflag:s22] =	ssyncset.done $0x0  }
0x78: {  	s0 =	rddreg [dreg:$0x19];
	[sflag:s22] =	ssyncadd.s32 $0xFFFFF000  }
0x79: {  	[hbm:s0], [sflag:s30] =	dma.local [spmem:s19], $0x1000  }
0x7a: {  	_ =	swait.ge [sflag:s4], $0x1000  }
0x7b: {  	[sflag:s4] =	ssyncset.done $0x0  }
0x7c: {  	[sflag:s4] =	ssyncadd.s32 $0xFFFFF000  }
0x7d: {  	[spmem:s18@s12], [sflag:s2] =	dma.strided [hbm:s23@s15], $0x1000, s10, $0x10   }
0x7e: {  	_ =	swait.ge [sflag:s17], $0x1000  }
0x7f: {  	[sflag:s17] =	ssyncset.done $0x0  }
0x80: {  	[sflag:s17] =	ssyncadd.s32 $0xFFFFF000  }
0x81: {  	[hbm:s21], [sflag:s31] =	dma.local [spmem:s13], $0x1000  }
0x82: {  	_ =	swait.ge [sflag:s8], $0x1000  }
0x83: {  	[sflag:s8] =	ssyncset.done $0x0  }
0x84: {  	[sflag:s8] =	ssyncadd.s32 $0xFFFFF000  }
0x85: {  	[spmem:s19@s12], [sflag:s26] =	dma.strided [hbm:s20@s15], $0x1000, s10, $0x10   }
0x86: {  	_ =	swait.ge [sflag:s7], $0x1000  }
0x87: {  	[sflag:s7] =	ssyncset.done $0x0  }
0x88: {  	[sflag:s7] =	ssyncadd.s32 $0xFFFFF000  }
0x89: {  	[hbm:s16], [sflag:s28] =	dma.local [spmem:s18], $0x1000  }
0x8a: {  	_ =	swait.ge [sflag:s11], $0x1000  }
0x8b: {  	[sflag:s11] =	ssyncset.done $0x0  }
0x8c: {  	[sflag:s11] =	ssyncadd.s32 $0xFFFFF000  }
0x8d: {  	[spmem:s13@s12], [sflag:s29] =	dma.strided [hbm:s14@s15], $0x1000, s10, $0x10   }
0x8e: {  	_ =	swait.ge [sflag:s22], $0x1000  }
0x8f: {  	[sflag:s22] =	ssyncset.done $0x0  }
0x90: {  	[sflag:s22] =	ssyncadd.s32 $0xFFFFF000  }
0x91: {  	[hbm:s9], [sflag:s30] =	dma.local [spmem:s19], $0x1000  }
0x92: {  	_ =	swait.ge [sflag:s4], $0x1000  }
0x93: {  	[sflag:s4] =	ssyncset.done $0x0  }
0x94: {  	[sflag:s4] =	ssyncadd.s32 $0xFFFFF000  }
0x95: {  	[spmem:s18@s12], [sflag:s2] =	dma.strided [hbm:s6@s15], $0x1000, s10, $0x10   }
0x96: {  	_ =	swait.ge [sflag:s17], $0x1000  }
0x97: {  	[sflag:s17] =	ssyncset.done $0x0  }
0x98: {  	[sflag:s17] =	ssyncadd.s32 $0xFFFFF000  }
0x99: {  	[hbm:s5], [sflag:s31] =	dma.local [spmem:s13], $0x1000  }
0x9a: {  	_ =	swait.ge [sflag:s7], $0x1000  }
0x9b: {  	[sflag:s7] =	ssyncset.done $0x0  }
0x9c: {  	[sflag:s7] =	ssyncadd.s32 $0xFFFFF000  }
0x9d: {  	[hbm:s3], [sflag:s28] =	dma.local [spmem:s18], $0x1000  }
0x9e: {  	_ =	swait.ge [sflag:s8], $0x1000  }
0x9f: {  	[sflag:s8] =	ssyncset.done $0x0  }
0xa0: {  	p1 =	sne.s32 s1, $0x1;
	[sflag:s8] =	ssyncadd.s32 $0xFFFFF000  }
.Ltmp1:
0xa1: {  	_ =	swait.ge [sflag:s11], $0x1000;
	(pc) =	sbr.rel @!p1 .LBB2_2-.Ltmp1, $4  }
0xa2: {  	[sflag:s11] =	ssyncset.done $0x0  }
0xa3: {  	[sflag:s11] =	ssyncadd.s32 $0xFFFFF000  }
0xa4: {  	s1 =	sadd.s32 $0xFFFFFFFF, s1;
	_ =	swait.ge [sflag:s4], $0x1000  }
0xa5: {  	p0 =	por $0x1, $0x1;
	s0 =	rddreg [dreg:$0x4];
	[sflag:s4] =	ssyncset.done $0x0  }
.LBB2_3:
0xa6: {  	[sflag:s4] =	ssyncadd.s32 $0xFFFFF000  }
0xa7: {  	[spmem:s18@s12], [sflag:s2] =	dma.strided [hbm:s0@s15], $0x1000, s10, $0x10   }
0xa8: {  	s0 =	rddreg [dreg:$0x5]  }
0xa9: {  	[spmem:s19@s12], [sflag:s26] =	dma.strided [hbm:s0@s15], $0x1000, s10, $0x10   }
0xaa: {  	_ =	swait.ge [sflag:s7], $0x1000  }
0xab: {  	[sflag:s7] =	ssyncset.done $0x0  }
0xac: {  	[sflag:s7] =	ssyncadd.s32 $0xFFFFF000  }
0xad: {  	[hbm:s24], [sflag:s28] =	dma.local [spmem:s18], $0x1000  }
0xae: {  	s0 =	rddreg [dreg:$0x6]  }
0xaf: {  	[spmem:s13@s12], [sflag:s29] =	dma.strided [hbm:s0@s15], $0x1000, s10, $0x10   }
0xb0: {  	_ =	swait.ge [sflag:s22], $0x1000  }
0xb1: {  	[sflag:s22] =	ssyncset.done $0x0  }
0xb2: {  	s0 =	rddreg [dreg:$0x7];
	[sflag:s22] =	ssyncadd.s32 $0xFFFFF000  }
0xb3: {  	[hbm:s0], [sflag:s30] =	dma.local [spmem:s19], $0x1000  }
0xb4: {  	_ =	swait.ge [sflag:s4], $0x1000  }
0xb5: {  	[sflag:s4] =	ssyncset.done $0x0  }
0xb6: {  	s0 =	rddreg [dreg:$0x8];
	[sflag:s4] =	ssyncadd.s32 $0xFFFFF000  }
0xb7: {  	[spmem:s18@s12], [sflag:s2] =	dma.strided [hbm:s0@s15], $0x1000, s10, $0x10   }
0xb8: {  	_ =	swait.ge [sflag:s17], $0x1000  }
0xb9: {  	[sflag:s17] =	ssyncset.done $0x0  }
0xba: {  	s0 =	rddreg [dreg:$0x9];
	[sflag:s17] =	ssyncadd.s32 $0xFFFFF000  }
0xbb: {  	[hbm:s0], [sflag:s31] =	dma.local [spmem:s13], $0x1000  }
0xbc: {  	_ =	swait.ge [sflag:s8], $0x1000  }
0xbd: {  	[sflag:s8] =	ssyncset.done $0x0  }
0xbe: {  	s0 =	rddreg [dreg:$0xa];
	[sflag:s8] =	ssyncadd.s32 $0xFFFFF000  }
0xbf: {  	[spmem:s19@s12], [sflag:s26] =	dma.strided [hbm:s0@s15], $0x1000, s10, $0x10   }
0xc0: {  	_ =	swait.ge [sflag:s7], $0x1000  }
0xc1: {  	[sflag:s7] =	ssyncset.done $0x0  }
0xc2: {  	s0 =	rddreg [dreg:$0xb];
	[sflag:s7] =	ssyncadd.s32 $0xFFFFF000  }
0xc3: {  	[hbm:s0], [sflag:s28] =	dma.local [spmem:s18], $0x1000  }
0xc4: {  	_ =	swait.ge [sflag:s11], $0x1000  }
0xc5: {  	[sflag:s11] =	ssyncset.done $0x0  }
0xc6: {  	s0 =	rddreg [dreg:$0xc];
	[sflag:s11] =	ssyncadd.s32 $0xFFFFF000  }
0xc7: {  	[spmem:s13@s12], [sflag:s29] =	dma.strided [hbm:s0@s15], $0x1000, s10, $0x10   }
0xc8: {  	_ =	swait.ge [sflag:s22], $0x1000  }
0xc9: {  	[sflag:s22] =	ssyncset.done $0x0  }
0xca: {  	s0 =	rddreg [dreg:$0xd];
	[sflag:s22] =	ssyncadd.s32 $0xFFFFF000  }
0xcb: {  	[hbm:s0], [sflag:s30] =	dma.local [spmem:s19], $0x1000  }
0xcc: {  	_ =	swait.ge [sflag:s4], $0x1000  }
0xcd: {  	[sflag:s4] =	ssyncset.done $0x0  }
0xce: {  	s0 =	rddreg [dreg:$0xe];
	[sflag:s4] =	ssyncadd.s32 $0xFFFFF000  }
0xcf: {  	[spmem:s18@s12], [sflag:s2] =	dma.strided [hbm:s0@s15], $0x1000, s10, $0x10   }
0xd0: {  	_ =	swait.ge [sflag:s17], $0x1000  }
0xd1: {  	[sflag:s17] =	ssyncset.done $0x0  }
0xd2: {  	s0 =	rddreg [dreg:$0xf];
	[sflag:s17] =	ssyncadd.s32 $0xFFFFF000  }
0xd3: {  	[hbm:s0], [sflag:s31] =	dma.local [spmem:s13], $0x1000  }
0xd4: {  	_ =	swait.ge [sflag:s8], $0x1000  }
0xd5: {  	[sflag:s8] =	ssyncset.done $0x0  }
0xd6: {  	s0 =	rddreg [dreg:$0x10];
	[sflag:s8] =	ssyncadd.s32 $0xFFFFF000  }
0xd7: {  	[spmem:s19@s12], [sflag:s26] =	dma.strided [hbm:s0@s15], $0x1000, s10, $0x10   }
0xd8: {  	_ =	swait.ge [sflag:s7], $0x1000  }
0xd9: {  	[sflag:s7] =	ssyncset.done $0x0  }
0xda: {  	s0 =	rddreg [dreg:$0x11];
	[sflag:s7] =	ssyncadd.s32 $0xFFFFF000  }
0xdb: {  	[hbm:s0], [sflag:s28] =	dma.local [spmem:s18], $0x1000  }
0xdc: {  	_ =	swait.ge [sflag:s11], $0x1000  }
0xdd: {  	[sflag:s11] =	ssyncset.done $0x0  }
0xde: {  	s0 =	rddreg [dreg:$0x12];
	[sflag:s11] =	ssyncadd.s32 $0xFFFFF000  }
0xdf: {  	[spmem:s13@s12], [sflag:s29] =	dma.strided [hbm:s0@s15], $0x1000, s10, $0x10   }
0xe0: {  	_ =	swait.ge [sflag:s22], $0x1000  }
0xe1: {  	[sflag:s22] =	ssyncset.done $0x0  }
0xe2: {  	s0 =	rddreg [dreg:$0x13];
	[sflag:s22] =	ssyncadd.s32 $0xFFFFF000  }
0xe3: {  	[hbm:s0], [sflag:s30] =	dma.local [spmem:s19], $0x1000  }
0xe4: {  	_ =	swait.ge [sflag:s4], $0x1000  }
0xe5: {  	[sflag:s4] =	ssyncset.done $0x0  }
0xe6: {  	s0 =	rddreg [dreg:$0x14];
	[sflag:s4] =	ssyncadd.s32 $0xFFFFF000  }
0xe7: {  	[spmem:s18@s12], [sflag:s2] =	dma.strided [hbm:s0@s15], $0x1000, s10, $0x10   }
0xe8: {  	_ =	swait.ge [sflag:s17], $0x1000  }
0xe9: {  	[sflag:s17] =	ssyncset.done $0x0  }
0xea: {  	s0 =	rddreg [dreg:$0x15];
	[sflag:s17] =	ssyncadd.s32 $0xFFFFF000  }
0xeb: {  	[hbm:s0], [sflag:s31] =	dma.local [spmem:s13], $0x1000  }
0xec: {  	_ =	swait.ge [sflag:s8], $0x1000  }
0xed: {  	[sflag:s8] =	ssyncset.done $0x0  }
0xee: {  	s0 =	rddreg [dreg:$0x16];
	[sflag:s8] =	ssyncadd.s32 $0xFFFFF000  }
0xef: {  	[spmem:s19@s12], [sflag:s26] =	dma.strided [hbm:s0@s15], $0x1000, s10, $0x10   }
0xf0: {  	_ =	swait.ge [sflag:s7], $0x1000  }
0xf1: {  	[sflag:s7] =	ssyncset.done $0x0  }
0xf2: {  	s0 =	rddreg [dreg:$0x17];
	[sflag:s7] =	ssyncadd.s32 $0xFFFFF000  }
0xf3: {  	[hbm:s0], [sflag:s28] =	dma.local [spmem:s18], $0x1000  }
0xf4: {  	_ =	swait.ge [sflag:s11], $0x1000  }
0xf5: {  	[sflag:s11] =	ssyncset.done $0x0  }
0xf6: {  	s0 =	rddreg [dreg:$0x18];
	[sflag:s11] =	ssyncadd.s32 $0xFFFFF000  }
0xf7: {  	[spmem:s13@s12], [sflag:s29] =	dma.strided [hbm:s0@s15], $0x1000, s10, $0x10   }
0xf8: {  	_ =	swait.ge [sflag:s22], $0x1000  }
0xf9: {  	[sflag:s22] =	ssyncset.done $0x0  }
0xfa: {  	s0 =	rddreg [dreg:$0x19];
	[sflag:s22] =	ssyncadd.s32 $0xFFFFF000  }
0xfb: {  	[hbm:s0], [sflag:s30] =	dma.local [spmem:s19], $0x1000  }
0xfc: {  	_ =	swait.ge [sflag:s4], $0x1000  }
0xfd: {  	[sflag:s4] =	ssyncset.done $0x0  }
0xfe: {  	[sflag:s4] =	ssyncadd.s32 $0xFFFFF000  }
0xff: {  	[spmem:s18@s12], [sflag:s2] =	dma.strided [hbm:s23@s15], $0x1000, s10, $0x10   }
0x100: {  	_ =	swait.ge [sflag:s17], $0x1000  }
0x101: {  	[sflag:s17] =	ssyncset.done $0x0  }
0x102: {  	[sflag:s17] =	ssyncadd.s32 $0xFFFFF000  }
0x103: {  	[hbm:s21], [sflag:s31] =	dma.local [spmem:s13], $0x1000  }
0x104: {  	_ =	swait.ge [sflag:s8], $0x1000  }
0x105: {  	[sflag:s8] =	ssyncset.done $0x0  }
0x106: {  	[sflag:s8] =	ssyncadd.s32 $0xFFFFF000  }
0x107: {  	[spmem:s19@s12], [sflag:s26] =	dma.strided [hbm:s20@s15], $0x1000, s10, $0x10   }
0x108: {  	_ =	swait.ge [sflag:s7], $0x1000  }
0x109: {  	[sflag:s7] =	ssyncset.done $0x0  }
0x10a: {  	[sflag:s7] =	ssyncadd.s32 $0xFFFFF000  }
0x10b: {  	[hbm:s16], [sflag:s28] =	dma.local [spmem:s18], $0x1000  }
0x10c: {  	_ =	swait.ge [sflag:s11], $0x1000  }
0x10d: {  	[sflag:s11] =	ssyncset.done $0x0  }
0x10e: {  	[sflag:s11] =	ssyncadd.s32 $0xFFFFF000  }
0x10f: {  	[spmem:s13@s12], [sflag:s29] =	dma.strided [hbm:s14@s15], $0x1000, s10, $0x10   }
0x110: {  	_ =	swait.ge [sflag:s22], $0x1000  }
0x111: {  	[sflag:s22] =	ssyncset.done $0x0  }
0x112: {  	[sflag:s22] =	ssyncadd.s32 $0xFFFFF000  }
0x113: {  	[hbm:s9], [sflag:s30] =	dma.local [spmem:s19], $0x1000  }
0x114: {  	_ =	swait.ge [sflag:s4], $0x1000  }
0x115: {  	[sflag:s4] =	ssyncset.done $0x0  }
0x116: {  	[sflag:s4] =	ssyncadd.s32 $0xFFFFF000  }
0x117: {  	[spmem:s18@s12], [sflag:s2] =	dma.strided [hbm:s6@s15], $0x1000, s10, $0x10   }
0x118: {  	_ =	swait.ge [sflag:s17], $0x1000  }
0x119: {  	[sflag:s17] =	ssyncset.done $0x0  }
0x11a: {  	[sflag:s17] =	ssyncadd.s32 $0xFFFFF000  }
0x11b: {  	[hbm:s5], [sflag:s31] =	dma.local [spmem:s13], $0x1000  }
0x11c: {  	_ =	swait.ge [sflag:s7], $0x1000  }
0x11d: {  	[sflag:s7] =	ssyncset.done $0x0  }
0x11e: {  	[sflag:s7] =	ssyncadd.s32 $0xFFFFF000  }
0x11f: {  	[hbm:s3], [sflag:s28] =	dma.local [spmem:s18], $0x1000  }
0x120: {  	_ =	swait.ge [sflag:s8], $0x1000  }
0x121: {  	[sflag:s8] =	ssyncset.done $0x0  }
0x122: {  	p1 =	sne.s32 s1, $0x1;
	[sflag:s8] =	ssyncadd.s32 $0xFFFFF000  }
.Ltmp2:
0x123: {  	_ =	swait.ge [sflag:s11], $0x1000;
	(pc) =	sbr.rel @p1 .LBB2_3-.Ltmp2, $4  }
0x124: {  	[sflag:s11] =	ssyncset.done $0x0  }
0x125: {  	[sflag:s11] =	ssyncadd.s32 $0xFFFFF000  }
0x126: {  	_ =	swait.ge [sflag:s4], $0x1000  }
0x127: {  	s1 =	sadd.s32 $0xFFFFFFFF, s1;
	s0 =	rddreg [dreg:$0x4];
	[sflag:s4] =	ssyncset.done $0x0  }
0x128: {  	s29 =	stileid.u32;
	s30 =	rddreg [dreg:$0x3]  }
.LBB2_5:
0x129: {  	[sflag:s4] =	ssyncadd.s32 @p0 $0xFFFFF000  }
0x12a: {  	[spmem:s18@s12], [sflag:s2] =	dma.strided [hbm:s0@s15], $0x1000, s10, $0x10   }
0x12b: {  	s26 =	sor.u32 $0x1C02, s25;
	s0 =	rddreg [dreg:$0x5]  }
0x12c: {  	[spmem:s19@s12], [sflag:s26] =	dma.strided [hbm:s0@s15], $0x1000, s10, $0x10   }
0x12d: {  	_ =	swait.ge [sflag:s7], $0x1000  }
0x12e: {  	[sflag:s7] =	ssyncset.done $0x0  }
0x12f: {  	s1 =	sor.u32 $0x1C04, s25;
	[sflag:s7] =	ssyncadd.s32 $0xFFFFF000  }
0x130: {  	[hbm:s24], [sflag:s1] =	dma.local [spmem:s18], $0x1000  }
0x131: {  	s24 =	sor.u32 $0x1C03, s25;
	s28 =	rddreg [dreg:$0x6]  }
0x132: {  	[spmem:s13@s12], [sflag:s24] =	dma.strided [hbm:s28@s15], $0x1000, s10, $0x10   }
0x133: {  	_ =	swait.ge [sflag:s22], $0x1000  }
0x134: {  	[sflag:s22] =	ssyncset.done $0x0  }
0x135: {  	s28 =	sor.u32 $0x1C05, s25;
	s31 =	rddreg [dreg:$0x7];
	[sflag:s22] =	ssyncadd.s32 $0xFFFFF000  }
0x136: {  	[hbm:s31], [sflag:s28] =	dma.local [spmem:s19], $0x1000  }
0x137: {  	_ =	swait.ge [sflag:s4], $0x1000  }
0x138: {  	[sflag:s4] =	ssyncset.done $0x0  }
0x139: {  	s31 =	rddreg [dreg:$0x8];
	[sflag:s4] =	ssyncadd.s32 $0xFFFFF000  }
0x13a: {  	[spmem:s18@s12], [sflag:s2] =	dma.strided [hbm:s31@s15], $0x1000, s10, $0x10   }
0x13b: {  	_ =	swait.ge [sflag:s17], $0x1000  }
0x13c: {  	[sflag:s17] =	ssyncset.done $0x0  }
0x13d: {  	s25 =	sor.u32 $0x1C06, s25;
	s31 =	rddreg [dreg:$0x9];
	[sflag:s17] =	ssyncadd.s32 $0xFFFFF000  }
0x13e: {  	[hbm:s31], [sflag:s25] =	dma.local [spmem:s13], $0x1000  }
0x13f: {  	_ =	swait.ge [sflag:s8], $0x1000  }
0x140: {  	[sflag:s8] =	ssyncset.done $0x0  }
0x141: {  	s31 =	rddreg [dreg:$0xa];
	[sflag:s8] =	ssyncadd.s32 $0xFFFFF000  }
0x142: {  	[spmem:s19@s12], [sflag:s26] =	dma.strided [hbm:s31@s15], $0x1000, s10, $0x10   }
0x143: {  	_ =	swait.ge [sflag:s7], $0x1000  }
0x144: {  	[sflag:s7] =	ssyncset.done $0x0  }
0x145: {  	s31 =	rddreg [dreg:$0xb];
	[sflag:s7] =	ssyncadd.s32 $0xFFFFF000  }
0x146: {  	[hbm:s31], [sflag:s1] =	dma.local [spmem:s18], $0x1000  }
0x147: {  	_ =	swait.ge [sflag:s11], $0x1000  }
0x148: {  	[sflag:s11] =	ssyncset.done $0x0  }
0x149: {  	s31 =	rddreg [dreg:$0xc];
	[sflag:s11] =	ssyncadd.s32 $0xFFFFF000  }
0x14a: {  	[spmem:s13@s12], [sflag:s24] =	dma.strided [hbm:s31@s15], $0x1000, s10, $0x10   }
0x14b: {  	_ =	swait.ge [sflag:s22], $0x1000  }
0x14c: {  	[sflag:s22] =	ssyncset.done $0x0  }
0x14d: {  	s31 =	rddreg [dreg:$0xd];
	[sflag:s22] =	ssyncadd.s32 $0xFFFFF000  }
0x14e: {  	[hbm:s31], [sflag:s28] =	dma.local [spmem:s19], $0x1000  }
0x14f: {  	_ =	swait.ge [sflag:s4], $0x1000  }
0x150: {  	[sflag:s4] =	ssyncset.done $0x0  }
0x151: {  	s31 =	rddreg [dreg:$0xe];
	[sflag:s4] =	ssyncadd.s32 $0xFFFFF000  }
0x152: {  	[spmem:s18@s12], [sflag:s2] =	dma.strided [hbm:s31@s15], $0x1000, s10, $0x10   }
0x153: {  	_ =	swait.ge [sflag:s17], $0x1000  }
0x154: {  	[sflag:s17] =	ssyncset.done $0x0  }
0x155: {  	s31 =	rddreg [dreg:$0xf];
	[sflag:s17] =	ssyncadd.s32 $0xFFFFF000  }
0x156: {  	[hbm:s31], [sflag:s25] =	dma.local [spmem:s13], $0x1000  }
0x157: {  	_ =	swait.ge [sflag:s8], $0x1000  }
0x158: {  	[sflag:s8] =	ssyncset.done $0x0  }
0x159: {  	s31 =	rddreg [dreg:$0x10];
	[sflag:s8] =	ssyncadd.s32 $0xFFFFF000  }
0x15a: {  	[spmem:s19@s12], [sflag:s26] =	dma.strided [hbm:s31@s15], $0x1000, s10, $0x10   }
0x15b: {  	_ =	swait.ge [sflag:s7], $0x1000  }
0x15c: {  	[sflag:s7] =	ssyncset.done $0x0  }
0x15d: {  	s31 =	rddreg [dreg:$0x11];
	[sflag:s7] =	ssyncadd.s32 $0xFFFFF000  }
0x15e: {  	[hbm:s31], [sflag:s1] =	dma.local [spmem:s18], $0x1000  }
0x15f: {  	_ =	swait.ge [sflag:s11], $0x1000  }
0x160: {  	[sflag:s11] =	ssyncset.done $0x0  }
0x161: {  	s31 =	rddreg [dreg:$0x12];
	[sflag:s11] =	ssyncadd.s32 $0xFFFFF000  }
0x162: {  	[spmem:s13@s12], [sflag:s24] =	dma.strided [hbm:s31@s15], $0x1000, s10, $0x10   }
0x163: {  	_ =	swait.ge [sflag:s22], $0x1000  }
0x164: {  	[sflag:s22] =	ssyncset.done $0x0  }
0x165: {  	s31 =	rddreg [dreg:$0x13];
	[sflag:s22] =	ssyncadd.s32 $0xFFFFF000  }
0x166: {  	[hbm:s31], [sflag:s28] =	dma.local [spmem:s19], $0x1000  }
0x167: {  	_ =	swait.ge [sflag:s4], $0x1000  }
0x168: {  	[sflag:s4] =	ssyncset.done $0x0  }
0x169: {  	s31 =	rddreg [dreg:$0x14];
	[sflag:s4] =	ssyncadd.s32 $0xFFFFF000  }
0x16a: {  	[spmem:s18@s12], [sflag:s2] =	dma.strided [hbm:s31@s15], $0x1000, s10, $0x10   }
0x16b: {  	_ =	swait.ge [sflag:s17], $0x1000  }
0x16c: {  	[sflag:s17] =	ssyncset.done $0x0  }
0x16d: {  	s31 =	rddreg [dreg:$0x15];
	[sflag:s17] =	ssyncadd.s32 $0xFFFFF000  }
0x16e: {  	[hbm:s31], [sflag:s25] =	dma.local [spmem:s13], $0x1000  }
0x16f: {  	_ =	swait.ge [sflag:s8], $0x1000  }
0x170: {  	[sflag:s8] =	ssyncset.done $0x0  }
0x171: {  	s31 =	rddreg [dreg:$0x16];
	[sflag:s8] =	ssyncadd.s32 $0xFFFFF000  }
0x172: {  	[spmem:s19@s12], [sflag:s26] =	dma.strided [hbm:s31@s15], $0x1000, s10, $0x10   }
0x173: {  	_ =	swait.ge [sflag:s7], $0x1000  }
0x174: {  	[sflag:s7] =	ssyncset.done $0x0  }
0x175: {  	s31 =	rddreg [dreg:$0x17];
	[sflag:s7] =	ssyncadd.s32 $0xFFFFF000  }
0x176: {  	[hbm:s31], [sflag:s1] =	dma.local [spmem:s18], $0x1000  }
0x177: {  	_ =	swait.ge [sflag:s11], $0x1000  }
0x178: {  	[sflag:s11] =	ssyncset.done $0x0  }
0x179: {  	s31 =	rddreg [dreg:$0x18];
	[sflag:s11] =	ssyncadd.s32 $0xFFFFF000  }
0x17a: {  	[spmem:s13@s12], [sflag:s24] =	dma.strided [hbm:s31@s15], $0x1000, s10, $0x10   }
0x17b: {  	_ =	swait.ge [sflag:s22], $0x1000  }
0x17c: {  	[sflag:s22] =	ssyncset.done $0x0  }
0x17d: {  	s31 =	rddreg [dreg:$0x19];
	[sflag:s22] =	ssyncadd.s32 $0xFFFFF000  }
0x17e: {  	[hbm:s31], [sflag:s28] =	dma.local [spmem:s19], $0x1000  }
0x17f: {  	_ =	swait.ge [sflag:s4], $0x1000  }
0x180: {  	[sflag:s4] =	ssyncset.done $0x0  }
0x181: {  	[sflag:s4] =	ssyncadd.s32 $0xFFFFF000  }
0x182: {  	[spmem:s18@s12], [sflag:s2] =	dma.strided [hbm:s23@s15], $0x1000, s10, $0x10   }
0x183: {  	_ =	swait.ge [sflag:s17], $0x1000  }
0x184: {  	[sflag:s17] =	ssyncset.done $0x0  }
0x185: {  	[sflag:s17] =	ssyncadd.s32 $0xFFFFF000  }
0x186: {  	[hbm:s21], [sflag:s25] =	dma.local [spmem:s13], $0x1000  }
0x187: {  	_ =	swait.ge [sflag:s8], $0x1000  }
0x188: {  	[sflag:s8] =	ssyncset.done $0x0  }
0x189: {  	[sflag:s8] =	ssyncadd.s32 $0xFFFFF000  }
0x18a: {  	[spmem:s19@s12], [sflag:s26] =	dma.strided [hbm:s20@s15], $0x1000, s10, $0x10   }
0x18b: {  	_ =	swait.ge [sflag:s7], $0x1000  }
0x18c: {  	[sflag:s7] =	ssyncset.done $0x0  }
0x18d: {  	[sflag:s7] =	ssyncadd.s32 $0xFFFFF000  }
0x18e: {  	[hbm:s16], [sflag:s1] =	dma.local [spmem:s18], $0x1000  }
0x18f: {  	_ =	swait.ge [sflag:s11], $0x1000  }
0x190: {  	[sflag:s11] =	ssyncset.done $0x0  }
0x191: {  	[sflag:s11] =	ssyncadd.s32 $0xFFFFF000  }
0x192: {  	[spmem:s13@s12], [sflag:s24] =	dma.strided [hbm:s14@s15], $0x1000, s10, $0x10   }
0x193: {  	_ =	swait.ge [sflag:s22], $0x1000  }
0x194: {  	[sflag:s22] =	ssyncset.done $0x0  }
0x195: {  	[sflag:s22] =	ssyncadd.s32 $0xFFFFF000  }
0x196: {  	[hbm:s9], [sflag:s28] =	dma.local [spmem:s19], $0x1000  }
0x197: {  	_ =	swait.ge [sflag:s4], $0x1000  }
0x198: {  	[sflag:s4] =	ssyncset.done $0x0  }
0x199: {  	[sflag:s4] =	ssyncadd.s32 $0xFFFFF000  }
0x19a: {  	[spmem:s18@s12], [sflag:s2] =	dma.strided [hbm:s6@s15], $0x1000, s10, $0x10   }
0x19b: {  	_ =	swait.ge [sflag:s17], $0x1000  }
0x19c: {  	[sflag:s17] =	ssyncset.done $0x0  }
0x19d: {  	[sflag:s17] =	ssyncadd.s32 $0xFFFFF000  }
0x19e: {  	[hbm:s5], [sflag:s25] =	dma.local [spmem:s13], $0x1000  }
0x19f: {  	_ =	swait.ge [sflag:s7], $0x1000  }
0x1a0: {  	[sflag:s7] =	ssyncset.done $0x0  }
0x1a1: {  	[sflag:s7] =	ssyncadd.s32 $0xFFFFF000  }
0x1a2: {  	[hbm:s3], [sflag:s1] =	dma.local [spmem:s18], $0x1000  }
0x1a3: {  	_ =	swait.ge [sflag:s8], $0x1000  }
0x1a4: {  	[sflag:s8] =	ssyncset.done $0x0  }
0x1a5: {  	[sflag:s8] =	ssyncadd.s32 $0xFFFFF000  }
0x1a6: {  	_ =	swait.ge [sflag:s11], $0x1000  }
0x1a7: {  	[sflag:s11] =	ssyncset.done $0x0  }
0x1a8: {  	[sflag:s11] =	ssyncadd.s32 $0xFFFFF000  }
0x1a9: {  	_ =	swait.ge [sflag:s4], $0x1000  }
0x1aa: {  	[sflag:s4] =	ssyncset.done $0x0  }
0x1ab: {  	[sflag:s4] =	ssyncadd.s32 $0xFFFFF000  }
0x1ac: {  	_ =	sfence.sel $0x180000  }
0x1ad: {  	[bflag:$0x0] =	sbarrier.arrive $0xFFFF  }
0x1ae: {  	p0 =	sne.s32 s29, $0x0;
	_ =	strace $0x90000047  }
0x1af: {  	s0 =	sadd.s32 @!p0 $0x100000, s30;
	[bflag:$0x2] =	sbarrier.arrive $0xFFFF  }
0x1b0: {  	[sflag:s0] =	ssyncadd.tile.s32 @!p0 $0x1;
	_ =	shalt  }
.LBB2_2:
.Ltmp3:
0x1b1: {  	(pc) =	sbr.rel .LBB2_5-.Ltmp3, $2  }
0x1b2: {  	_ =	sdelay $0x2  }
0x1b3: {  	s29 =	stileid.u32;
	s30 =	rddreg [dreg:$0x3]  }
.Lfunc_end2:
_tile_overlayer_lowered:
.L_overlay_start_2:
0x1b4: {  	(tag) =	ssettag $0x2  }
0x1b5: {  	s0 =	rddreg [dreg:$0x0];
	s2 =	stileid.u32  }
0x1b6: {  	s1 =	rddreg [dreg:$0x1];
	p0 =	sne.s32 s2, $0x0  }
0x1b7: {  	s3 =	rddreg [dreg:$0x2];
	[bflag:$0x3] =	sbarrier.arrive $0xFFFF;
	s2 =	simm.s32 @!p0 $0x1C07  }
0x1b8: {  	[timem:s3], [sflag:s2] =	dma.local @!p0 [hbm:s0], s1  }
0x1b9: {  	s0 =	simm.s32 @!p0 $0x7  }
0x1ba: {  	_ =	swait.ge @!p0 [sflag:s0], s1  }
0x1bb: {  	s1 =	ssub.s32 @!p0 $0x0, s1;
	[sflag:s0] =	ssyncset.done @!p0 $0x0  }
0x1bc: {  	[sflag:s0] =	ssyncadd.s32 @!p0 s1  }
0x1bd: {  	[bflag:$0x3] =	sbarrier.arrive $0xFFFF  }
0x1be: {  	_ =	shalt  }

</sc_bundles>
